<compile_context>
chip_gen: v7x
topology: tpu7x:2x2x1
jax: 0.10.2.dev20260603
libtpu: 0.0.44.dev20260713+nightly
codegen_flags: <defaults>
</compile_context>

<pallas_src>
import functools

import jax
import jax.numpy as jnp
from jax import lax
from jax.experimental import pallas as pl
from jax.experimental.pallas import tpu as pltpu
from jax.experimental.pallas import tpu_sc as plsc

_CB = 8192
_CD = 256
_TOK = 1024
_KCH = 1368
_LOSS_W = 1.25

_NUM_WORKERS = 32
_GROW = 128


def _bf16_rne(x):
    u = lax.bitcast_convert_type(x, jnp.uint32)
    r = ((u + jnp.uint32(0x7FFF) + ((u >> jnp.uint32(16)) & jnp.uint32(1)))
         & jnp.uint32(0xFFFF0000))
    return lax.bitcast_convert_type(r, jnp.float32)


def _argmin_body(z_ref, zf_ref, w_ref, idx_ref, w2_scr, wsq_scr):
    b = pl.program_id(0)

    @pl.when(b == 0)
    def _():
        w = w_ref[...]
        w2_scr[...] = -2.0 * w
        wsq_scr[...] = jnp.sum(w * w, axis=1, keepdims=True)

    zt = z_ref[0]
    zf = zf_ref[0]
    xh = zf[:, :128]
    yh = zf[:, 128:]
    sq = xh * xh + yh * yh
    zsq_col = jnp.sum(sq, axis=1, keepdims=True)
    zsq = jnp.transpose(zsq_col, (1, 0))
    bv = jnp.full((1, _TOK), jnp.inf, jnp.float32)
    bi = jnp.zeros((1, _TOK), jnp.int32)
    rows_full = lax.broadcasted_iota(jnp.int32, (_KCH, _TOK), 0)
    windows = ((0, 2736), (2736, 2736), (5472, 2720))
    for w_off, w_len in windows:
        off = 0
        while off < w_len:
            kc = min(_KCH, w_len - off)
            base = w_off + off
            w2c = w2_scr[pl.ds(base, kc), :]
            s2 = lax.dot_general(w2c, zt, (((1,), (0,)), ((), ())),
                                 preferred_element_type=jnp.float32)
            wsqc = wsq_scr[pl.ds(base, kc), :]
            d = (zsq + wsqc) + s2
            cm = jnp.min(d, axis=0, keepdims=True)
            rows = rows_full[:kc] if kc < _KCH else rows_full
            ci = jnp.min(jnp.where(d == cm, rows, _CB),
                         axis=0, keepdims=True) + base
            upd = cm < bv
            bi = jnp.where(upd, ci, bi)
            bv = jnp.where(upd, cm, bv)
            off += kc
        bv = _bf16_rne(bv)
    idx_ref[0] = bi


def _compute_indices(z3, zf3, W):
    nb = z3.shape[0]
    return pl.pallas_call(
        _argmin_body,
        grid=(nb,),
        in_specs=[
            pl.BlockSpec((1, _CD, _TOK), lambda b: (b, 0, 0)),
            pl.BlockSpec((1, _TOK, _CD), lambda b: (b, 0, 0)),
            pl.BlockSpec((_CB, _CD), lambda b: (0, 0)),
        ],
        out_specs=pl.BlockSpec((1, 1, _TOK), lambda b: (b, 0, 0)),
        out_shape=jax.ShapeDtypeStruct((nb, 1, _TOK), jnp.int32),
        scratch_shapes=[
            pltpu.VMEM((_CB, _CD), jnp.float32),
            pltpu.VMEM((_CB, 1), jnp.float32),
        ],
    )(z3, zf3, W)


def _make_sc_gather(n_rows):
    per_w = n_rows // _NUM_WORKERS
    n_ch = per_w // _GROW
    mesh = plsc.VectorSubcoreMesh(core_axis_name="c", subcore_axis_name="s")

    @functools.partial(
        pl.kernel,
        mesh=mesh,
        out_type=jax.ShapeDtypeStruct((n_rows, _CD), jnp.float32),
        scratch_types=[
            pltpu.VMEM((n_ch, _GROW), jnp.int32),
            pltpu.VMEM((_GROW, _CD), jnp.float32),
            pltpu.VMEM((_GROW, _CD), jnp.float32),
            pltpu.SemaphoreType.DMA,
            pltpu.SemaphoreType.DMA,
        ],
    )
    def gather_k(w_hbm, idx_hbm, out_hbm, idx_v, buf0, buf1, sem0, sem1):
        wid = lax.axis_index("s") * 2 + lax.axis_index("c")
        base = wid * per_w
        pltpu.sync_copy(idx_hbm.at[wid], idx_v)
        bufs = (buf0, buf1)
        sems = (sem0, sem1)
        cps = [pltpu.async_copy(w_hbm.at[idx_v.at[0]], buf0, sem0), None]
        for j in range(n_ch):
            if j + 1 < n_ch:
                cps[(j + 1) % 2] = pltpu.async_copy(
                    w_hbm.at[idx_v.at[j + 1]], bufs[(j + 1) % 2],
                    sems[(j + 1) % 2])
            cps[j % 2].wait()
            pltpu.sync_copy(bufs[j % 2],
                            out_hbm.at[pl.ds(base + j * _GROW, _GROW)])

    return gather_k


def _assemble_body(zq_ref, z_ref, q_ref, loss_ref):
    b = pl.program_id(0)
    nb = pl.num_programs(0)
    zq = zq_ref[0]
    zt = z_ref[0]
    diff = jnp.transpose(zq, (1, 0)) - zt
    q_ref[0] = zt + diff

    @pl.when(b == 0)
    def _():
        loss_ref[...] = jnp.zeros_like(loss_ref)

    loss_ref[...] += jnp.sum(diff * diff, keepdims=True)

    @pl.when(b == nb - 1)
    def _():
        n_el = nb * _CD * _TOK
        loss_ref[...] = loss_ref[...] * (_LOSS_W / n_el)


def _assemble(zq3, z3):
    nb = z3.shape[0]
    return pl.pallas_call(
        _assemble_body,
        grid=(nb,),
        in_specs=[
            pl.BlockSpec((1, _TOK, _CD), lambda b: (b, 0, 0)),
            pl.BlockSpec((1, _CD, _TOK), lambda b: (b, 0, 0)),
        ],
        out_specs=[
            pl.BlockSpec((1, _CD, _TOK), lambda b: (b, 0, 0)),
            pl.BlockSpec((1, 1), lambda b: (0, 0)),
        ],
        out_shape=[
            jax.ShapeDtypeStruct((nb, _CD, _TOK), jnp.float32),
            jax.ShapeDtypeStruct((1, 1), jnp.float32),
        ],
    )(zq3, z3)


def kernel(z, W):
    b, c, h, w = z.shape
    z3 = z.reshape(b, c, h * w)
    zf3 = jnp.transpose(z3, (0, 2, 1))
    idx3 = _compute_indices(z3, zf3, W)
    indices = idx3.reshape(b, h * w)
    n_rows = b * h * w
    idx_sc = idx3.reshape(_NUM_WORKERS, n_rows // (_NUM_WORKERS * _GROW),
                          _GROW)
    zq = _make_sc_gather(n_rows)(W, idx_sc)
    q3, loss11 = _assemble(zq.reshape(b, h * w, c), z3)
    quantized = q3.reshape(b, c, h, w)
    return quantized, indices, loss11.reshape(())

# --- scband reference (transcript-rebuilt; emitter-appended) ---
"""Pipeline reference for scband-vector-quantizer-61632780697603 (READ-ONLY COPY).

The authoritative reference and input builder live on the scoring server;
editing this copy changes nothing except your own understanding.
"""

import jax, jax.numpy as jnp
import numpy as np

CODEBOOK_SIZE = 8192
LATENT_DIM = 256
COMMITMENT_WEIGHT = 0.25


def setup_inputs(seed: int = 0) -> dict:
    key = jax.random.key(seed)
    k1, k2 = jax.random.split(key)
    z = jax.random.normal(k1, (32, 256, 32, 32), dtype=jnp.float32)
    W = jax.random.uniform(k2, (CODEBOOK_SIZE, LATENT_DIM), dtype=jnp.float32,
                           minval=-1.0 / CODEBOOK_SIZE, maxval=1.0 / CODEBOOK_SIZE)
    return {"z": z, "W": W}


def reference(z, W):
    b, c, h, w = z.shape
    # rearrange 'b c h w -> (b h w) c'
    z_flat = jnp.transpose(z, (0, 2, 3, 1)).reshape(b * h * w, c)
    # squared-distance matrix: ||z||^2 + ||e||^2 - 2 z e^T
    d = (jnp.sum(z_flat ** 2, axis=1, keepdims=True)
         + jnp.sum(W ** 2, axis=1)
         - 2.0 * jnp.matmul(z_flat, W.T))
    min_encoding_indices = jnp.argmin(d, axis=1)
    indices = min_encoding_indices.reshape(b, h * w)
    # embedding lookup
    z_q = jnp.take(W, indices, axis=0)  # (b, h*w, c)
    # rearrange 'b (h w) c -> b c h w'
    z_q = jnp.transpose(z_q.reshape(b, h, w, c), (0, 3, 1, 2))
    sg = jax.lax.stop_gradient
    codebook_loss = (jnp.mean((z_q - sg(z)) ** 2)
                     + COMMITMENT_WEIGHT * jnp.mean((sg(z_q) - z) ** 2))
    quantized = z + sg(z_q - z)
    return (quantized, indices, codebook_loss)

if __name__ == "__main__":
    import jax
    _d = setup_inputs()
    print(jax.jit(kernel)(*tuple(_d.values())))

</pallas_src>

<mosaic_0001>
#map = affine_map<(d0, d1) -> (0, 0)>
#map1 = affine_map<(d0, d1) -> (0, 0, 0)>
module attributes {stable_mosaic.version = 14 : i64} {
  func.func @gather_k(%arg0: i32, %arg1: i32, %arg2: memref<8192x256xf32, #tpu.memory_space<hbm>>, %arg3: memref<32x8x128xi32, #tpu.memory_space<hbm>>, %arg4: memref<32768x256xf32, #tpu.memory_space<hbm>>, %arg5: memref<8x128xi32, #tpu.memory_space<vmem>>, %arg6: memref<128x256xf32, #tpu.memory_space<vmem>>, %arg7: memref<128x256xf32, #tpu.memory_space<vmem>>, %arg8: memref<!tpu.dma_semaphore, #tpu.memory_space<semaphore_mem>>, %arg9: memref<!tpu.dma_semaphore, #tpu.memory_space<semaphore_mem>>) attributes {dimension_semantics = [#tpu.dimension_semantics<core_parallel>, #tpu.dimension_semantics<subcore_parallel>], iteration_bounds = array<i64: 2, 16>, scalar_prefetch = 0 : i64, scratch_operands = 5 : i64, tpu.core_type = #tpu.core_type<sc_vector_subcore>, window_params = [{transform_indices = #map}, {transform_indices = #map1}, {transform_indices = #map}]} {
    %mul3A = arith.constant 2 : i32
    %mul3A_0 = arith.muli %arg1, %mul3A : i32
    %add3A = arith.addi %mul3A_0, %arg0 : i32
    %mul3A_1 = arith.constant 1024 : i32
    %mul3A_2 = arith.muli %add3A, %mul3A_1 : i32
    "tpu.region"() ({
      %run_scoped3A = tpu.sem_alloc : memref<!tpu.dma_semaphore, #tpu.memory_space<semaphore_mem>>
      %dma_start3A_129 = arith.constant 0 : i32
      %dma_start3A_130 = arith.constant 0 : i32
      %dma_start3A_131 = tpu.memref_slice %arg3[%add3A, %dma_start3A_129, %dma_start3A_130] : memref<32x8x128xi32, #tpu.memory_space<hbm>> -> memref<1x8x128xi32, #tpu.memory_space<hbm>>
      %dma_start3A_132 = tpu.memref_squeeze %dma_start3A_131 : memref<1x8x128xi32, #tpu.memory_space<hbm>> -> memref<8x128xi32, #tpu.memory_space<hbm>>
      %dma_start3A_133 = arith.constant 0 : i32
      %dma_start3A_134 = arith.constant 0 : i32
      %dma_start3A_135 = tpu.memref_slice %arg3[%add3A, %dma_start3A_133, %dma_start3A_134] : memref<32x8x128xi32, #tpu.memory_space<hbm>> -> memref<1x8x128xi32, #tpu.memory_space<hbm>>
      %dma_start3A_136 = tpu.memref_squeeze %dma_start3A_135 : memref<1x8x128xi32, #tpu.memory_space<hbm>> -> memref<8x128xi32, #tpu.memory_space<hbm>>
      tpu.enqueue_dma source(%dma_start3A_136 : memref<8x128xi32, #tpu.memory_space<hbm>>) target(%arg5 : memref<8x128xi32, #tpu.memory_space<vmem>>) target_semaphore(%run_scoped3A : memref<!tpu.dma_semaphore, #tpu.memory_space<semaphore_mem>>)
      %dma_wait3A_137 = arith.constant 0 : i32
      %dma_wait3A_138 = arith.constant 0 : i32
      %dma_wait3A_139 = tpu.memref_slice %arg3[%add3A, %dma_wait3A_137, %dma_wait3A_138] : memref<32x8x128xi32, #tpu.memory_space<hbm>> -> memref<1x8x128xi32, #tpu.memory_space<hbm>>
      %dma_wait3A_140 = tpu.memref_squeeze %dma_wait3A_139 : memref<1x8x128xi32, #tpu.memory_space<hbm>> -> memref<8x128xi32, #tpu.memory_space<hbm>>
      %dma_wait3A_141 = arith.constant 0 : i32
      %dma_wait3A_142 = arith.constant 0 : i32
      %dma_wait3A_143 = tpu.memref_slice %arg3[%add3A, %dma_wait3A_141, %dma_wait3A_142] : memref<32x8x128xi32, #tpu.memory_space<hbm>> -> memref<1x8x128xi32, #tpu.memory_space<hbm>>
      %dma_wait3A_144 = tpu.memref_squeeze %dma_wait3A_143 : memref<1x8x128xi32, #tpu.memory_space<hbm>> -> memref<8x128xi32, #tpu.memory_space<hbm>>
      tpu.wait_dma2 semaphore(%run_scoped3A : memref<!tpu.dma_semaphore, #tpu.memory_space<semaphore_mem>>) src(%dma_wait3A_144 : memref<8x128xi32, #tpu.memory_space<hbm>>) dst(%arg5 : memref<8x128xi32, #tpu.memory_space<vmem>>)
      tpu.yield
    }) : () -> ()
    %dma_start3A = arith.constant 0 : i32
    %dma_start3A_3 = arith.constant 0 : i32
    %dma_start3A_4 = tpu.memref_slice %arg5[%dma_start3A, %dma_start3A_3] : memref<8x128xi32, #tpu.memory_space<vmem>> -> memref<1x128xi32, #tpu.memory_space<vmem>>
    %dma_start3A_5 = tpu.memref_squeeze %dma_start3A_4 : memref<1x128xi32, #tpu.memory_space<vmem>> -> memref<128xi32, #tpu.memory_space<vmem>>
    %dma_start3A_6 = arith.constant 0 : i32
    %dma_start3A_7 = arith.constant 0 : i32
    %dma_start3A_8 = tpu.memref_slice %arg2[%dma_start3A_6, %dma_start3A_7] : memref<8192x256xf32, #tpu.memory_space<hbm>> -> memref<8192x256xf32, #tpu.memory_space<hbm>>
    tpu.enqueue_indirect_dma source(%dma_start3A_8 : memref<8192x256xf32, #tpu.memory_space<hbm>>) target(%arg6 : memref<128x256xf32, #tpu.memory_space<vmem>>) offsets(%dma_start3A_5 : memref<128xi32, #tpu.memory_space<vmem>>) semaphore(%arg8 : memref<!tpu.dma_semaphore, #tpu.memory_space<semaphore_mem>>)
    %dma_start3A_9 = arith.constant 1 : i32
    %dma_start3A_10 = arith.constant 0 : i32
    %dma_start3A_11 = tpu.memref_slice %arg5[%dma_start3A_9, %dma_start3A_10] : memref<8x128xi32, #tpu.memory_space<vmem>> -> memref<1x128xi32, #tpu.memory_space<vmem>>
    %dma_start3A_12 = tpu.memref_squeeze %dma_start3A_11 : memref<1x128xi32, #tpu.memory_space<vmem>> -> memref<128xi32, #tpu.memory_space<vmem>>
    %dma_start3A_13 = arith.constant 0 : i32
    %dma_start3A_14 = arith.constant 0 : i32
    %dma_start3A_15 = tpu.memref_slice %arg2[%dma_start3A_13, %dma_start3A_14] : memref<8192x256xf32, #tpu.memory_space<hbm>> -> memref<8192x256xf32, #tpu.memory_space<hbm>>
    tpu.enqueue_indirect_dma source(%dma_start3A_15 : memref<8192x256xf32, #tpu.memory_space<hbm>>) target(%arg7 : memref<128x256xf32, #tpu.memory_space<vmem>>) offsets(%dma_start3A_12 : memref<128xi32, #tpu.memory_space<vmem>>) semaphore(%arg9 : memref<!tpu.dma_semaphore, #tpu.memory_space<semaphore_mem>>)
    %dma_wait3A = arith.constant 0 : i32
    %dma_wait3A_16 = arith.constant 0 : i32
    %dma_wait3A_17 = tpu.memref_slice %arg5[%dma_wait3A, %dma_wait3A_16] : memref<8x128xi32, #tpu.memory_space<vmem>> -> memref<1x128xi32, #tpu.memory_space<vmem>>
    %dma_wait3A_18 = tpu.memref_squeeze %dma_wait3A_17 : memref<1x128xi32, #tpu.memory_space<vmem>> -> memref<128xi32, #tpu.memory_space<vmem>>
    %dma_wait3A_19 = arith.constant 0 : i32
    %dma_wait3A_20 = arith.constant 0 : i32
    %dma_wait3A_21 = tpu.memref_slice %arg2[%dma_wait3A_19, %dma_wait3A_20] : memref<8192x256xf32, #tpu.memory_space<hbm>> -> memref<8192x256xf32, #tpu.memory_space<hbm>>
    tpu.wait_indirect_dma semaphore(%arg8 : memref<!tpu.dma_semaphore, #tpu.memory_space<semaphore_mem>>) src(%dma_wait3A_21 : memref<8192x256xf32, #tpu.memory_space<hbm>>) dst(%arg6 : memref<128x256xf32, #tpu.memory_space<vmem>>)
    %add3A_22 = arith.constant 0 : i32
    %add3A_23 = arith.addi %mul3A_2, %add3A_22 : i32
    "tpu.region"() ({
      %run_scoped3A = tpu.sem_alloc : memref<!tpu.dma_semaphore, #tpu.memory_space<semaphore_mem>>
      %dma_start3A_129 = arith.constant 0 : i32
      %dma_start3A_130 = tpu.memref_slice %arg4[%add3A_23, %dma_start3A_129] : memref<32768x256xf32, #tpu.memory_space<hbm>> -> memref<128x256xf32, #tpu.memory_space<hbm>>
      %dma_start3A_131 = arith.constant 0 : i32
      %dma_start3A_132 = tpu.memref_slice %arg4[%add3A_23, %dma_start3A_131] : memref<32768x256xf32, #tpu.memory_space<hbm>> -> memref<128x256xf32, #tpu.memory_space<hbm>>
      tpu.enqueue_dma source(%arg6 : memref<128x256xf32, #tpu.memory_space<vmem>>) target(%dma_start3A_132 : memref<128x256xf32, #tpu.memory_space<hbm>>) target_semaphore(%run_scoped3A : memref<!tpu.dma_semaphore, #tpu.memory_space<semaphore_mem>>)
      %dma_wait3A_133 = arith.constant 0 : i32
      %dma_wait3A_134 = tpu.memref_slice %arg4[%add3A_23, %dma_wait3A_133] : memref<32768x256xf32, #tpu.memory_space<hbm>> -> memref<128x256xf32, #tpu.memory_space<hbm>>
      %dma_wait3A_135 = arith.constant 0 : i32
      %dma_wait3A_136 = tpu.memref_slice %arg4[%add3A_23, %dma_wait3A_135] : memref<32768x256xf32, #tpu.memory_space<hbm>> -> memref<128x256xf32, #tpu.memory_space<hbm>>
      tpu.wait_dma2 semaphore(%run_scoped3A : memref<!tpu.dma_semaphore, #tpu.memory_space<semaphore_mem>>) src(%arg6 : memref<128x256xf32, #tpu.memory_space<vmem>>) dst(%dma_wait3A_136 : memref<128x256xf32, #tpu.memory_space<hbm>>)
      tpu.yield
    }) : () -> ()
    %dma_start3A_24 = arith.constant 2 : i32
    %dma_start3A_25 = arith.constant 0 : i32
    %dma_start3A_26 = tpu.memref_slice %arg5[%dma_start3A_24, %dma_start3A_25] : memref<8x128xi32, #tpu.memory_space<vmem>> -> memref<1x128xi32, #tpu.memory_space<vmem>>
    %dma_start3A_27 = tpu.memref_squeeze %dma_start3A_26 : memref<1x128xi32, #tpu.memory_space<vmem>> -> memref<128xi32, #tpu.memory_space<vmem>>
    %dma_start3A_28 = arith.constant 0 : i32
    %dma_start3A_29 = arith.constant 0 : i32
    %dma_start3A_30 = tpu.memref_slice %arg2[%dma_start3A_28, %dma_start3A_29] : memref<8192x256xf32, #tpu.memory_space<hbm>> -> memref<8192x256xf32, #tpu.memory_space<hbm>>
    tpu.enqueue_indirect_dma source(%dma_start3A_30 : memref<8192x256xf32, #tpu.memory_space<hbm>>) target(%arg6 : memref<128x256xf32, #tpu.memory_space<vmem>>) offsets(%dma_start3A_27 : memref<128xi32, #tpu.memory_space<vmem>>) semaphore(%arg8 : memref<!tpu.dma_semaphore, #tpu.memory_space<semaphore_mem>>)
    %dma_wait3A_31 = arith.constant 1 : i32
    %dma_wait3A_32 = arith.constant 0 : i32
    %dma_wait3A_33 = tpu.memref_slice %arg5[%dma_wait3A_31, %dma_wait3A_32] : memref<8x128xi32, #tpu.memory_space<vmem>> -> memref<1x128xi32, #tpu.memory_space<vmem>>
    %dma_wait3A_34 = tpu.memref_squeeze %dma_wait3A_33 : memref<1x128xi32, #tpu.memory_space<vmem>> -> memref<128xi32, #tpu.memory_space<vmem>>
    %dma_wait3A_35 = arith.constant 0 : i32
    %dma_wait3A_36 = arith.constant 0 : i32
    %dma_wait3A_37 = tpu.memref_slice %arg2[%dma_wait3A_35, %dma_wait3A_36] : memref<8192x256xf32, #tpu.memory_space<hbm>> -> memref<8192x256xf32, #tpu.memory_space<hbm>>
    tpu.wait_indirect_dma semaphore(%arg9 : memref<!tpu.dma_semaphore, #tpu.memory_space<semaphore_mem>>) src(%dma_wait3A_37 : memref<8192x256xf32, #tpu.memory_space<hbm>>) dst(%arg7 : memref<128x256xf32, #tpu.memory_space<vmem>>)
    %add3A_38 = arith.constant 128 : i32
    %add3A_39 = arith.addi %mul3A_2, %add3A_38 : i32
    "tpu.region"() ({
      %run_scoped3A = tpu.sem_alloc : memref<!tpu.dma_semaphore, #tpu.memory_space<semaphore_mem>>
      %dma_start3A_129 = arith.constant 0 : i32
      %dma_start3A_130 = tpu.memref_slice %arg4[%add3A_39, %dma_start3A_129] : memref<32768x256xf32, #tpu.memory_space<hbm>> -> memref<128x256xf32, #tpu.memory_space<hbm>>
      %dma_start3A_131 = arith.constant 0 : i32
      %dma_start3A_132 = tpu.memref_slice %arg4[%add3A_39, %dma_start3A_131] : memref<32768x256xf32, #tpu.memory_space<hbm>> -> memref<128x256xf32, #tpu.memory_space<hbm>>
      tpu.enqueue_dma source(%arg7 : memref<128x256xf32, #tpu.memory_space<vmem>>) target(%dma_start3A_132 : memref<128x256xf32, #tpu.memory_space<hbm>>) target_semaphore(%run_scoped3A : memref<!tpu.dma_semaphore, #tpu.memory_space<semaphore_mem>>)
      %dma_wait3A_133 = arith.constant 0 : i32
      %dma_wait3A_134 = tpu.memref_slice %arg4[%add3A_39, %dma_wait3A_133] : memref<32768x256xf32, #tpu.memory_space<hbm>> -> memref<128x256xf32, #tpu.memory_space<hbm>>
      %dma_wait3A_135 = arith.constant 0 : i32
      %dma_wait3A_136 = tpu.memref_slice %arg4[%add3A_39, %dma_wait3A_135] : memref<32768x256xf32, #tpu.memory_space<hbm>> -> memref<128x256xf32, #tpu.memory_space<hbm>>
      tpu.wait_dma2 semaphore(%run_scoped3A : memref<!tpu.dma_semaphore, #tpu.memory_space<semaphore_mem>>) src(%arg7 : memref<128x256xf32, #tpu.memory_space<vmem>>) dst(%dma_wait3A_136 : memref<128x256xf32, #tpu.memory_space<hbm>>)
      tpu.yield
    }) : () -> ()
    %dma_start3A_40 = arith.constant 3 : i32
    %dma_start3A_41 = arith.constant 0 : i32
    %dma_start3A_42 = tpu.memref_slice %arg5[%dma_start3A_40, %dma_start3A_41] : memref<8x128xi32, #tpu.memory_space<vmem>> -> memref<1x128xi32, #tpu.memory_space<vmem>>
    %dma_start3A_43 = tpu.memref_squeeze %dma_start3A_42 : memref<1x128xi32, #tpu.memory_space<vmem>> -> memref<128xi32, #tpu.memory_space<vmem>>
    %dma_start3A_44 = arith.constant 0 : i32
    %dma_start3A_45 = arith.constant 0 : i32
    %dma_start3A_46 = tpu.memref_slice %arg2[%dma_start3A_44, %dma_start3A_45] : memref<8192x256xf32, #tpu.memory_space<hbm>> -> memref<8192x256xf32, #tpu.memory_space<hbm>>
    tpu.enqueue_indirect_dma source(%dma_start3A_46 : memref<8192x256xf32, #tpu.memory_space<hbm>>) target(%arg7 : memref<128x256xf32, #tpu.memory_space<vmem>>) offsets(%dma_start3A_43 : memref<128xi32, #tpu.memory_space<vmem>>) semaphore(%arg9 : memref<!tpu.dma_semaphore, #tpu.memory_space<semaphore_mem>>)
    %dma_wait3A_47 = arith.constant 2 : i32
    %dma_wait3A_48 = arith.constant 0 : i32
    %dma_wait3A_49 = tpu.memref_slice %arg5[%dma_wait3A_47, %dma_wait3A_48] : memref<8x128xi32, #tpu.memory_space<vmem>> -> memref<1x128xi32, #tpu.memory_space<vmem>>
    %dma_wait3A_50 = tpu.memref_squeeze %dma_wait3A_49 : memref<1x128xi32, #tpu.memory_space<vmem>> -> memref<128xi32, #tpu.memory_space<vmem>>
    %dma_wait3A_51 = arith.constant 0 : i32
    %dma_wait3A_52 = arith.constant 0 : i32
    %dma_wait3A_53 = tpu.memref_slice %arg2[%dma_wait3A_51, %dma_wait3A_52] : memref<8192x256xf32, #tpu.memory_space<hbm>> -> memref<8192x256xf32, #tpu.memory_space<hbm>>
    tpu.wait_indirect_dma semaphore(%arg8 : memref<!tpu.dma_semaphore, #tpu.memory_space<semaphore_mem>>) src(%dma_wait3A_53 : memref<8192x256xf32, #tpu.memory_space<hbm>>) dst(%arg6 : memref<128x256xf32, #tpu.memory_space<vmem>>)
    %add3A_54 = arith.constant 256 : i32
    %add3A_55 = arith.addi %mul3A_2, %add3A_54 : i32
    "tpu.region"() ({
      %run_scoped3A = tpu.sem_alloc : memref<!tpu.dma_semaphore, #tpu.memory_space<semaphore_mem>>
      %dma_start3A_129 = arith.constant 0 : i32
      %dma_start3A_130 = tpu.memref_slice %arg4[%add3A_55, %dma_start3A_129] : memref<32768x256xf32, #tpu.memory_space<hbm>> -> memref<128x256xf32, #tpu.memory_space<hbm>>
      %dma_start3A_131 = arith.constant 0 : i32
      %dma_start3A_132 = tpu.memref_slice %arg4[%add3A_55, %dma_start3A_131] : memref<32768x256xf32, #tpu.memory_space<hbm>> -> memref<128x256xf32, #tpu.memory_space<hbm>>
      tpu.enqueue_dma source(%arg6 : memref<128x256xf32, #tpu.memory_space<vmem>>) target(%dma_start3A_132 : memref<128x256xf32, #tpu.memory_space<hbm>>) target_semaphore(%run_scoped3A : memref<!tpu.dma_semaphore, #tpu.memory_space<semaphore_mem>>)
      %dma_wait3A_133 = arith.constant 0 : i32
      %dma_wait3A_134 = tpu.memref_slice %arg4[%add3A_55, %dma_wait3A_133] : memref<32768x256xf32, #tpu.memory_space<hbm>> -> memref<128x256xf32, #tpu.memory_space<hbm>>
      %dma_wait3A_135 = arith.constant 0 : i32
      %dma_wait3A_136 = tpu.memref_slice %arg4[%add3A_55, %dma_wait3A_135] : memref<32768x256xf32, #tpu.memory_space<hbm>> -> memref<128x256xf32, #tpu.memory_space<hbm>>
      tpu.wait_dma2 semaphore(%run_scoped3A : memref<!tpu.dma_semaphore, #tpu.memory_space<semaphore_mem>>) src(%arg6 : memref<128x256xf32, #tpu.memory_space<vmem>>) dst(%dma_wait3A_136 : memref<128x256xf32, #tpu.memory_space<hbm>>)
      tpu.yield
    }) : () -> ()
    %dma_start3A_56 = arith.constant 4 : i32
    %dma_start3A_57 = arith.constant 0 : i32
    %dma_start3A_58 = tpu.memref_slice %arg5[%dma_start3A_56, %dma_start3A_57] : memref<8x128xi32, #tpu.memory_space<vmem>> -> memref<1x128xi32, #tpu.memory_space<vmem>>
    %dma_start3A_59 = tpu.memref_squeeze %dma_start3A_58 : memref<1x128xi32, #tpu.memory_space<vmem>> -> memref<128xi32, #tpu.memory_space<vmem>>
    %dma_start3A_60 = arith.constant 0 : i32
    %dma_start3A_61 = arith.constant 0 : i32
    %dma_start3A_62 = tpu.memref_slice %arg2[%dma_start3A_60, %dma_start3A_61] : memref<8192x256xf32, #tpu.memory_space<hbm>> -> memref<8192x256xf32, #tpu.memory_space<hbm>>
    tpu.enqueue_indirect_dma source(%dma_start3A_62 : memref<8192x256xf32, #tpu.memory_space<hbm>>) target(%arg6 : memref<128x256xf32, #tpu.memory_space<vmem>>) offsets(%dma_start3A_59 : memref<128xi32, #tpu.memory_space<vmem>>) semaphore(%arg8 : memref<!tpu.dma_semaphore, #tpu.memory_space<semaphore_mem>>)
    %dma_wait3A_63 = arith.constant 3 : i32
    %dma_wait3A_64 = arith.constant 0 : i32
    %dma_wait3A_65 = tpu.memref_slice %arg5[%dma_wait3A_63, %dma_wait3A_64] : memref<8x128xi32, #tpu.memory_space<vmem>> -> memref<1x128xi32, #tpu.memory_space<vmem>>
    %dma_wait3A_66 = tpu.memref_squeeze %dma_wait3A_65 : memref<1x128xi32, #tpu.memory_space<vmem>> -> memref<128xi32, #tpu.memory_space<vmem>>
    %dma_wait3A_67 = arith.constant 0 : i32
    %dma_wait3A_68 = arith.constant 0 : i32
    %dma_wait3A_69 = tpu.memref_slice %arg2[%dma_wait3A_67, %dma_wait3A_68] : memref<8192x256xf32, #tpu.memory_space<hbm>> -> memref<8192x256xf32, #tpu.memory_space<hbm>>
    tpu.wait_indirect_dma semaphore(%arg9 : memref<!tpu.dma_semaphore, #tpu.memory_space<semaphore_mem>>) src(%dma_wait3A_69 : memref<8192x256xf32, #tpu.memory_space<hbm>>) dst(%arg7 : memref<128x256xf32, #tpu.memory_space<vmem>>)
    %add3A_70 = arith.constant 384 : i32
    %add3A_71 = arith.addi %mul3A_2, %add3A_70 : i32
    "tpu.region"() ({
      %run_scoped3A = tpu.sem_alloc : memref<!tpu.dma_semaphore, #tpu.memory_space<semaphore_mem>>
      %dma_start3A_129 = arith.constant 0 : i32
      %dma_start3A_130 = tpu.memref_slice %arg4[%add3A_71, %dma_start3A_129] : memref<32768x256xf32, #tpu.memory_space<hbm>> -> memref<128x256xf32, #tpu.memory_space<hbm>>
      %dma_start3A_131 = arith.constant 0 : i32
      %dma_start3A_132 = tpu.memref_slice %arg4[%add3A_71, %dma_start3A_131] : memref<32768x256xf32, #tpu.memory_space<hbm>> -> memref<128x256xf32, #tpu.memory_space<hbm>>
      tpu.enqueue_dma source(%arg7 : memref<128x256xf32, #tpu.memory_space<vmem>>) target(%dma_start3A_132 : memref<128x256xf32, #tpu.memory_space<hbm>>) target_semaphore(%run_scoped3A : memref<!tpu.dma_semaphore, #tpu.memory_space<semaphore_mem>>)
      %dma_wait3A_133 = arith.constant 0 : i32
      %dma_wait3A_134 = tpu.memref_slice %arg4[%add3A_71, %dma_wait3A_133] : memref<32768x256xf32, #tpu.memory_space<hbm>> -> memref<128x256xf32, #tpu.memory_space<hbm>>
      %dma_wait3A_135 = arith.constant 0 : i32
      %dma_wait3A_136 = tpu.memref_slice %arg4[%add3A_71, %dma_wait3A_135] : memref<32768x256xf32, #tpu.memory_space<hbm>> -> memref<128x256xf32, #tpu.memory_space<hbm>>
      tpu.wait_dma2 semaphore(%run_scoped3A : memref<!tpu.dma_semaphore, #tpu.memory_space<semaphore_mem>>) src(%arg7 : memref<128x256xf32, #tpu.memory_space<vmem>>) dst(%dma_wait3A_136 : memref<128x256xf32, #tpu.memory_space<hbm>>)
      tpu.yield
    }) : () -> ()
    %dma_start3A_72 = arith.constant 5 : i32
    %dma_start3A_73 = arith.constant 0 : i32
    %dma_start3A_74 = tpu.memref_slice %arg5[%dma_start3A_72, %dma_start3A_73] : memref<8x128xi32, #tpu.memory_space<vmem>> -> memref<1x128xi32, #tpu.memory_space<vmem>>
    %dma_start3A_75 = tpu.memref_squeeze %dma_start3A_74 : memref<1x128xi32, #tpu.memory_space<vmem>> -> memref<128xi32, #tpu.memory_space<vmem>>
    %dma_start3A_76 = arith.constant 0 : i32
    %dma_start3A_77 = arith.constant 0 : i32
    %dma_start3A_78 = tpu.memref_slice %arg2[%dma_start3A_76, %dma_start3A_77] : memref<8192x256xf32, #tpu.memory_space<hbm>> -> memref<8192x256xf32, #tpu.memory_space<hbm>>
    tpu.enqueue_indirect_dma source(%dma_start3A_78 : memref<8192x256xf32, #tpu.memory_space<hbm>>) target(%arg7 : memref<128x256xf32, #tpu.memory_space<vmem>>) offsets(%dma_start3A_75 : memref<128xi32, #tpu.memory_space<vmem>>) semaphore(%arg9 : memref<!tpu.dma_semaphore, #tpu.memory_space<semaphore_mem>>)
    %dma_wait3A_79 = arith.constant 4 : i32
    %dma_wait3A_80 = arith.constant 0 : i32
    %dma_wait3A_81 = tpu.memref_slice %arg5[%dma_wait3A_79, %dma_wait3A_80] : memref<8x128xi32, #tpu.memory_space<vmem>> -> memref<1x128xi32, #tpu.memory_space<vmem>>
    %dma_wait3A_82 = tpu.memref_squeeze %dma_wait3A_81 : memref<1x128xi32, #tpu.memory_space<vmem>> -> memref<128xi32, #tpu.memory_space<vmem>>
    %dma_wait3A_83 = arith.constant 0 : i32
    %dma_wait3A_84 = arith.constant 0 : i32
    %dma_wait3A_85 = tpu.memref_slice %arg2[%dma_wait3A_83, %dma_wait3A_84] : memref<8192x256xf32, #tpu.memory_space<hbm>> -> memref<8192x256xf32, #tpu.memory_space<hbm>>
    tpu.wait_indirect_dma semaphore(%arg8 : memref<!tpu.dma_semaphore, #tpu.memory_space<semaphore_mem>>) src(%dma_wait3A_85 : memref<8192x256xf32, #tpu.memory_space<hbm>>) dst(%arg6 : memref<128x256xf32, #tpu.memory_space<vmem>>)
    %add3A_86 = arith.constant 512 : i32
    %add3A_87 = arith.addi %mul3A_2, %add3A_86 : i32
    "tpu.region"() ({
      %run_scoped3A = tpu.sem_alloc : memref<!tpu.dma_semaphore, #tpu.memory_space<semaphore_mem>>
      %dma_start3A_129 = arith.constant 0 : i32
      %dma_start3A_130 = tpu.memref_slice %arg4[%add3A_87, %dma_start3A_129] : memref<32768x256xf32, #tpu.memory_space<hbm>> -> memref<128x256xf32, #tpu.memory_space<hbm>>
      %dma_start3A_131 = arith.constant 0 : i32
      %dma_start3A_132 = tpu.memref_slice %arg4[%add3A_87, %dma_start3A_131] : memref<32768x256xf32, #tpu.memory_space<hbm>> -> memref<128x256xf32, #tpu.memory_space<hbm>>
      tpu.enqueue_dma source(%arg6 : memref<128x256xf32, #tpu.memory_space<vmem>>) target(%dma_start3A_132 : memref<128x256xf32, #tpu.memory_space<hbm>>) target_semaphore(%run_scoped3A : memref<!tpu.dma_semaphore, #tpu.memory_space<semaphore_mem>>)
      %dma_wait3A_133 = arith.constant 0 : i32
      %dma_wait3A_134 = tpu.memref_slice %arg4[%add3A_87, %dma_wait3A_133] : memref<32768x256xf32, #tpu.memory_space<hbm>> -> memref<128x256xf32, #tpu.memory_space<hbm>>
      %dma_wait3A_135 = arith.constant 0 : i32
      %dma_wait3A_136 = tpu.memref_slice %arg4[%add3A_87, %dma_wait3A_135] : memref<32768x256xf32, #tpu.memory_space<hbm>> -> memref<128x256xf32, #tpu.memory_space<hbm>>
      tpu.wait_dma2 semaphore(%run_scoped3A : memref<!tpu.dma_semaphore, #tpu.memory_space<semaphore_mem>>) src(%arg6 : memref<128x256xf32, #tpu.memory_space<vmem>>) dst(%dma_wait3A_136 : memref<128x256xf32, #tpu.memory_space<hbm>>)
      tpu.yield
    }) : () -> ()
    %dma_start3A_88 = arith.constant 6 : i32
    %dma_start3A_89 = arith.constant 0 : i32
    %dma_start3A_90 = tpu.memref_slice %arg5[%dma_start3A_88, %dma_start3A_89] : memref<8x128xi32, #tpu.memory_space<vmem>> -> memref<1x128xi32, #tpu.memory_space<vmem>>
    %dma_start3A_91 = tpu.memref_squeeze %dma_start3A_90 : memref<1x128xi32, #tpu.memory_space<vmem>> -> memref<128xi32, #tpu.memory_space<vmem>>
    %dma_start3A_92 = arith.constant 0 : i32
    %dma_start3A_93 = arith.constant 0 : i32
    %dma_start3A_94 = tpu.memref_slice %arg2[%dma_start3A_92, %dma_start3A_93] : memref<8192x256xf32, #tpu.memory_space<hbm>> -> memref<8192x256xf32, #tpu.memory_space<hbm>>
    tpu.enqueue_indirect_dma source(%dma_start3A_94 : memref<8192x256xf32, #tpu.memory_space<hbm>>) target(%arg6 : memref<128x256xf32, #tpu.memory_space<vmem>>) offsets(%dma_start3A_91 : memref<128xi32, #tpu.memory_space<vmem>>) semaphore(%arg8 : memref<!tpu.dma_semaphore, #tpu.memory_space<semaphore_mem>>)
    %dma_wait3A_95 = arith.constant 5 : i32
    %dma_wait3A_96 = arith.constant 0 : i32
    %dma_wait3A_97 = tpu.memref_slice %arg5[%dma_wait3A_95, %dma_wait3A_96] : memref<8x128xi32, #tpu.memory_space<vmem>> -> memref<1x128xi32, #tpu.memory_space<vmem>>
    %dma_wait3A_98 = tpu.memref_squeeze %dma_wait3A_97 : memref<1x128xi32, #tpu.memory_space<vmem>> -> memref<128xi32, #tpu.memory_space<vmem>>
    %dma_wait3A_99 = arith.constant 0 : i32
    %dma_wait3A_100 = arith.constant 0 : i32
    %dma_wait3A_101 = tpu.memref_slice %arg2[%dma_wait3A_99, %dma_wait3A_100] : memref<8192x256xf32, #tpu.memory_space<hbm>> -> memref<8192x256xf32, #tpu.memory_space<hbm>>
    tpu.wait_indirect_dma semaphore(%arg9 : memref<!tpu.dma_semaphore, #tpu.memory_space<semaphore_mem>>) src(%dma_wait3A_101 : memref<8192x256xf32, #tpu.memory_space<hbm>>) dst(%arg7 : memref<128x256xf32, #tpu.memory_space<vmem>>)
    %add3A_102 = arith.constant 640 : i32
    %add3A_103 = arith.addi %mul3A_2, %add3A_102 : i32
    "tpu.region"() ({
      %run_scoped3A = tpu.sem_alloc : memref<!tpu.dma_semaphore, #tpu.memory_space<semaphore_mem>>
      %dma_start3A_129 = arith.constant 0 : i32
      %dma_start3A_130 = tpu.memref_slice %arg4[%add3A_103, %dma_start3A_129] : memref<32768x256xf32, #tpu.memory_space<hbm>> -> memref<128x256xf32, #tpu.memory_space<hbm>>
      %dma_start3A_131 = arith.constant 0 : i32
      %dma_start3A_132 = tpu.memref_slice %arg4[%add3A_103, %dma_start3A_131] : memref<32768x256xf32, #tpu.memory_space<hbm>> -> memref<128x256xf32, #tpu.memory_space<hbm>>
      tpu.enqueue_dma source(%arg7 : memref<128x256xf32, #tpu.memory_space<vmem>>) target(%dma_start3A_132 : memref<128x256xf32, #tpu.memory_space<hbm>>) target_semaphore(%run_scoped3A : memref<!tpu.dma_semaphore, #tpu.memory_space<semaphore_mem>>)
      %dma_wait3A_133 = arith.constant 0 : i32
      %dma_wait3A_134 = tpu.memref_slice %arg4[%add3A_103, %dma_wait3A_133] : memref<32768x256xf32, #tpu.memory_space<hbm>> -> memref<128x256xf32, #tpu.memory_space<hbm>>
      %dma_wait3A_135 = arith.constant 0 : i32
      %dma_wait3A_136 = tpu.memref_slice %arg4[%add3A_103, %dma_wait3A_135] : memref<32768x256xf32, #tpu.memory_space<hbm>> -> memref<128x256xf32, #tpu.memory_space<hbm>>
      tpu.wait_dma2 semaphore(%run_scoped3A : memref<!tpu.dma_semaphore, #tpu.memory_space<semaphore_mem>>) src(%arg7 : memref<128x256xf32, #tpu.memory_space<vmem>>) dst(%dma_wait3A_136 : memref<128x256xf32, #tpu.memory_space<hbm>>)
      tpu.yield
    }) : () -> ()
    %dma_start3A_104 = arith.constant 7 : i32
    %dma_start3A_105 = arith.constant 0 : i32
    %dma_start3A_106 = tpu.memref_slice %arg5[%dma_start3A_104, %dma_start3A_105] : memref<8x128xi32, #tpu.memory_space<vmem>> -> memref<1x128xi32, #tpu.memory_space<vmem>>
    %dma_start3A_107 = tpu.memref_squeeze %dma_start3A_106 : memref<1x128xi32, #tpu.memory_space<vmem>> -> memref<128xi32, #tpu.memory_space<vmem>>
    %dma_start3A_108 = arith.constant 0 : i32
    %dma_start3A_109 = arith.constant 0 : i32
    %dma_start3A_110 = tpu.memref_slice %arg2[%dma_start3A_108, %dma_start3A_109] : memref<8192x256xf32, #tpu.memory_space<hbm>> -> memref<8192x256xf32, #tpu.memory_space<hbm>>
    tpu.enqueue_indirect_dma source(%dma_start3A_110 : memref<8192x256xf32, #tpu.memory_space<hbm>>) target(%arg7 : memref<128x256xf32, #tpu.memory_space<vmem>>) offsets(%dma_start3A_107 : memref<128xi32, #tpu.memory_space<vmem>>) semaphore(%arg9 : memref<!tpu.dma_semaphore, #tpu.memory_space<semaphore_mem>>)
    %dma_wait3A_111 = arith.constant 6 : i32
    %dma_wait3A_112 = arith.constant 0 : i32
    %dma_wait3A_113 = tpu.memref_slice %arg5[%dma_wait3A_111, %dma_wait3A_112] : memref<8x128xi32, #tpu.memory_space<vmem>> -> memref<1x128xi32, #tpu.memory_space<vmem>>
    %dma_wait3A_114 = tpu.memref_squeeze %dma_wait3A_113 : memref<1x128xi32, #tpu.memory_space<vmem>> -> memref<128xi32, #tpu.memory_space<vmem>>
    %dma_wait3A_115 = arith.constant 0 : i32
    %dma_wait3A_116 = arith.constant 0 : i32
    %dma_wait3A_117 = tpu.memref_slice %arg2[%dma_wait3A_115, %dma_wait3A_116] : memref<8192x256xf32, #tpu.memory_space<hbm>> -> memref<8192x256xf32, #tpu.memory_space<hbm>>
    tpu.wait_indirect_dma semaphore(%arg8 : memref<!tpu.dma_semaphore, #tpu.memory_space<semaphore_mem>>) src(%dma_wait3A_117 : memref<8192x256xf32, #tpu.memory_space<hbm>>) dst(%arg6 : memref<128x256xf32, #tpu.memory_space<vmem>>)
    %add3A_118 = arith.constant 768 : i32
    %add3A_119 = arith.addi %mul3A_2, %add3A_118 : i32
    "tpu.region"() ({
      %run_scoped3A = tpu.sem_alloc : memref<!tpu.dma_semaphore, #tpu.memory_space<semaphore_mem>>
      %dma_start3A_129 = arith.constant 0 : i32
      %dma_start3A_130 = tpu.memref_slice %arg4[%add3A_119, %dma_start3A_129] : memref<32768x256xf32, #tpu.memory_space<hbm>> -> memref<128x256xf32, #tpu.memory_space<hbm>>
      %dma_start3A_131 = arith.constant 0 : i32
      %dma_start3A_132 = tpu.memref_slice %arg4[%add3A_119, %dma_start3A_131] : memref<32768x256xf32, #tpu.memory_space<hbm>> -> memref<128x256xf32, #tpu.memory_space<hbm>>
      tpu.enqueue_dma source(%arg6 : memref<128x256xf32, #tpu.memory_space<vmem>>) target(%dma_start3A_132 : memref<128x256xf32, #tpu.memory_space<hbm>>) target_semaphore(%run_scoped3A : memref<!tpu.dma_semaphore, #tpu.memory_space<semaphore_mem>>)
      %dma_wait3A_133 = arith.constant 0 : i32
      %dma_wait3A_134 = tpu.memref_slice %arg4[%add3A_119, %dma_wait3A_133] : memref<32768x256xf32, #tpu.memory_space<hbm>> -> memref<128x256xf32, #tpu.memory_space<hbm>>
      %dma_wait3A_135 = arith.constant 0 : i32
      %dma_wait3A_136 = tpu.memref_slice %arg4[%add3A_119, %dma_wait3A_135] : memref<32768x256xf32, #tpu.memory_space<hbm>> -> memref<128x256xf32, #tpu.memory_space<hbm>>
      tpu.wait_dma2 semaphore(%run_scoped3A : memref<!tpu.dma_semaphore, #tpu.memory_space<semaphore_mem>>) src(%arg6 : memref<128x256xf32, #tpu.memory_space<vmem>>) dst(%dma_wait3A_136 : memref<128x256xf32, #tpu.memory_space<hbm>>)
      tpu.yield
    }) : () -> ()
    %dma_wait3A_120 = arith.constant 7 : i32
    %dma_wait3A_121 = arith.constant 0 : i32
    %dma_wait3A_122 = tpu.memref_slice %arg5[%dma_wait3A_120, %dma_wait3A_121] : memref<8x128xi32, #tpu.memory_space<vmem>> -> memref<1x128xi32, #tpu.memory_space<vmem>>
    %dma_wait3A_123 = tpu.memref_squeeze %dma_wait3A_122 : memref<1x128xi32, #tpu.memory_space<vmem>> -> memref<128xi32, #tpu.memory_space<vmem>>
    %dma_wait3A_124 = arith.constant 0 : i32
    %dma_wait3A_125 = arith.constant 0 : i32
    %dma_wait3A_126 = tpu.memref_slice %arg2[%dma_wait3A_124, %dma_wait3A_125] : memref<8192x256xf32, #tpu.memory_space<hbm>> -> memref<8192x256xf32, #tpu.memory_space<hbm>>
    tpu.wait_indirect_dma semaphore(%arg9 : memref<!tpu.dma_semaphore, #tpu.memory_space<semaphore_mem>>) src(%dma_wait3A_126 : memref<8192x256xf32, #tpu.memory_space<hbm>>) dst(%arg7 : memref<128x256xf32, #tpu.memory_space<vmem>>)
    %add3A_127 = arith.constant 896 : i32
    %add3A_128 = arith.addi %mul3A_2, %add3A_127 : i32
    "tpu.region"() ({
      %run_scoped3A = tpu.sem_alloc : memref<!tpu.dma_semaphore, #tpu.memory_space<semaphore_mem>>
      %dma_start3A_129 = arith.constant 0 : i32
      %dma_start3A_130 = tpu.memref_slice %arg4[%add3A_128, %dma_start3A_129] : memref<32768x256xf32, #tpu.memory_space<hbm>> -> memref<128x256xf32, #tpu.memory_space<hbm>>
      %dma_start3A_131 = arith.constant 0 : i32
      %dma_start3A_132 = tpu.memref_slice %arg4[%add3A_128, %dma_start3A_131] : memref<32768x256xf32, #tpu.memory_space<hbm>> -> memref<128x256xf32, #tpu.memory_space<hbm>>
      tpu.enqueue_dma source(%arg7 : memref<128x256xf32, #tpu.memory_space<vmem>>) target(%dma_start3A_132 : memref<128x256xf32, #tpu.memory_space<hbm>>) target_semaphore(%run_scoped3A : memref<!tpu.dma_semaphore, #tpu.memory_space<semaphore_mem>>)
      %dma_wait3A_133 = arith.constant 0 : i32
      %dma_wait3A_134 = tpu.memref_slice %arg4[%add3A_128, %dma_wait3A_133] : memref<32768x256xf32, #tpu.memory_space<hbm>> -> memref<128x256xf32, #tpu.memory_space<hbm>>
      %dma_wait3A_135 = arith.constant 0 : i32
      %dma_wait3A_136 = tpu.memref_slice %arg4[%add3A_128, %dma_wait3A_135] : memref<32768x256xf32, #tpu.memory_space<hbm>> -> memref<128x256xf32, #tpu.memory_space<hbm>>
      tpu.wait_dma2 semaphore(%run_scoped3A : memref<!tpu.dma_semaphore, #tpu.memory_space<semaphore_mem>>) src(%arg7 : memref<128x256xf32, #tpu.memory_space<vmem>>) dst(%dma_wait3A_136 : memref<128x256xf32, #tpu.memory_space<hbm>>)
      tpu.yield
    }) : () -> ()
    return
  }
}

module attributes {stable_mosaic.version = 14 : i64} {
  func.func @_assemble_body(%arg0: i32, %arg1: memref<1x1024x256xf32, #tpu.memory_space<vmem>>, %arg2: memref<1x256x1024xf32, #tpu.memory_space<vmem>>, %arg3: memref<1x256x1024xf32, #tpu.memory_space<vmem>>, %arg4: memref<1x1xf32, #tpu.memory_space<vmem>>) attributes {dimension_semantics = [#tpu.dimension_semantics<arbitrary>], iteration_bounds = array<i64: 32>, scalar_prefetch = 0 : i64, scratch_operands = 0 : i64, tpu.core_type = #tpu.core_type<tc>, window_params = [{transform_indices = @transform_0, window_bounds = array<i64: 1, 1024, 256>}, {transform_indices = @transform_1, window_bounds = array<i64: 1, 256, 1024>}, {transform_indices = @transform_2, window_bounds = array<i64: 1, 256, 1024>}, {pipeline_mode = #tpu.pipeline_mode<synchronous>, transform_indices = @transform_3, window_bounds = array<i64: 1, 1>}]} {
    %get3A = arith.constant 0 : index
    %get3A_0 = arith.constant 0 : index
    %get3A_1 = arith.constant 0 : index
    %get3A_2 = vector.load %arg1[%get3A, %get3A_0, %get3A_1] : memref<1x1024x256xf32, #tpu.memory_space<vmem>>, vector<1x1024x256xf32>
    %get3A_3 = vector.shape_cast %get3A_2 : vector<1x1024x256xf32> to vector<1024x256xf32>
    %get3A_4 = arith.constant 0 : index
    %get3A_5 = arith.constant 0 : index
    %get3A_6 = arith.constant 0 : index
    %get3A_7 = vector.load %arg2[%get3A_4, %get3A_5, %get3A_6] : memref<1x256x1024xf32, #tpu.memory_space<vmem>>, vector<1x256x1024xf32>
    %get3A_8 = vector.shape_cast %get3A_7 : vector<1x256x1024xf32> to vector<256x1024xf32>
    %transpose3A = tpu.transpose %get3A_3, [1, 0] : vector<1024x256xf32> -> vector<256x1024xf32>
    %sub3A = arith.subf %transpose3A, %get3A_8 : vector<256x1024xf32>
    %add3A = arith.addf %get3A_8, %sub3A : vector<256x1024xf32>
    %swap3A = arith.constant 0 : index
    %swap3A_9 = arith.constant 0 : index
    %swap3A_10 = arith.constant 0 : index
    %swap3A_11 = vector.load %arg3[%swap3A, %swap3A_9, %swap3A_10] : memref<1x256x1024xf32, #tpu.memory_space<vmem>>, vector<1x256x1024xf32>
    %swap3A_12 = vector.shape_cast %swap3A_11 : vector<1x256x1024xf32> to vector<256x1024xf32>
    %swap3A_13 = vector.shape_cast %add3A : vector<256x1024xf32> to vector<1x256x1024xf32>
    tpu.vector_store %arg3[%swap3A, %swap3A_9, %swap3A_10], %swap3A_13 {strides = array<i32>} : memref<1x256x1024xf32, #tpu.memory_space<vmem>>, vector<1x256x1024xf32>,
    %eq3A = arith.constant 0 : i32
    %eq3A_14 = arith.cmpi eq, %arg0, %eq3A : i32
    %convert_element_type3A = arith.extui %eq3A_14 : i1 to i32
    %cond3A = arith.constant 0 : i32
    %cond3A_15 = arith.cmpi ne, %convert_element_type3A, %cond3A : i32
    scf.if %cond3A_15 {
      %broadcast_in_dim3A_32 = arith.constant 0.000000e+00 : f32
      %broadcast_in_dim3A_33 = vector.broadcast %broadcast_in_dim3A_32 : f32 to vector<1x1xf32>
      %swap3A_34 = arith.constant 0 : index
      %swap3A_35 = arith.constant 0 : index
      %swap3A_36 = vector.load %arg4[%swap3A_34, %swap3A_35] : memref<1x1xf32, #tpu.memory_space<vmem>>, vector<1x1xf32>
      tpu.vector_store %arg4[%swap3A_34, %swap3A_35], %broadcast_in_dim3A_33 {strides = array<i32>} : memref<1x1xf32, #tpu.memory_space<vmem>>, vector<1x1xf32>,
    } else {
    }
    %get3A_16 = arith.constant 0 : index
    %get3A_17 = arith.constant 0 : index
    %get3A_18 = vector.load %arg4[%get3A_16, %get3A_17] : memref<1x1xf32, #tpu.memory_space<vmem>>, vector<1x1xf32>
    %mul3A = arith.mulf %sub3A, %sub3A : vector<256x1024xf32>
    %reduce_sum3A = vector.shape_cast %mul3A : vector<256x1024xf32> to vector<1x256x1024xf32>
    %reduce_sum3A_19 = arith.constant dense<0.000000e+00> : vector<1xf32>
    %reduce_sum3A_20 = vector.multi_reduction <add>, %reduce_sum3A, %reduce_sum3A_19 [1, 2] : vector<1x256x1024xf32> to vector<1xf32>
    %reduce_sum3A_21 = vector.shape_cast %reduce_sum3A_20 : vector<1xf32> to vector<1x1x1xf32>
    %reduce_sum3A_22 = vector.extract %reduce_sum3A_21[0, 0, 0] : f32 from vector<1x1x1xf32>
    %broadcast_in_dim3A = vector.broadcast %reduce_sum3A_22 : f32 to vector<1x1xf32>
    %add3A_23 = arith.addf %get3A_18, %broadcast_in_dim3A : vector<1x1xf32>
    %swap3A_24 = arith.constant 0 : index
    %swap3A_25 = arith.constant 0 : index
    %swap3A_26 = vector.load %arg4[%swap3A_24, %swap3A_25] : memref<1x1xf32, #tpu.memory_space<vmem>>, vector<1x1xf32>
    tpu.vector_store %arg4[%swap3A_24, %swap3A_25], %add3A_23 {strides = array<i32>} : memref<1x1xf32, #tpu.memory_space<vmem>>, vector<1x1xf32>,
    %eq3A_27 = arith.constant 31 : i32
    %eq3A_28 = arith.cmpi eq, %arg0, %eq3A_27 : i32
    %convert_element_type3A_29 = arith.extui %eq3A_28 : i1 to i32
    %cond3A_30 = arith.constant 0 : i32
    %cond3A_31 = arith.cmpi ne, %convert_element_type3A_29, %cond3A_30 : i32
    scf.if %cond3A_31 {
      %get3A_32 = arith.constant 0 : index
      %get3A_33 = arith.constant 0 : index
      %get3A_34 = vector.load %arg4[%get3A_32, %get3A_33] : memref<1x1xf32, #tpu.memory_space<vmem>>, vector<1x1xf32>
      %mul3A_35 = arith.constant 1.49011612E-7 : f32
      %mul3A_36 = vector.broadcast %mul3A_35 : f32 to vector<1x1xf32>
      %mul3A_37 = arith.mulf %get3A_34, %mul3A_36 : vector<1x1xf32>
      %swap3A_38 = arith.constant 0 : index
      %swap3A_39 = arith.constant 0 : index
      %swap3A_40 = vector.load %arg4[%swap3A_38, %swap3A_39] : memref<1x1xf32, #tpu.memory_space<vmem>>, vector<1x1xf32>
      tpu.vector_store %arg4[%swap3A_38, %swap3A_39], %mul3A_37 {strides = array<i32>} : memref<1x1xf32, #tpu.memory_space<vmem>>, vector<1x1xf32>,
    } else {
    }
    return
  }
  func.func @transform_0(%arg0: i32) -> (i32, i32, i32) {
    %c0_i32 = arith.constant 0 : i32
    %c0_i32_0 = arith.constant 0 : i32
    %c0_i32_1 = arith.constant 0 : i32
    return %arg0, %c0_i32, %c0_i32_0 : i32, i32, i32
  }
  func.func @transform_1(%arg0: i32) -> (i32, i32, i32) {
    %c0_i32 = arith.constant 0 : i32
    %c0_i32_0 = arith.constant 0 : i32
    %c0_i32_1 = arith.constant 0 : i32
    return %arg0, %c0_i32, %c0_i32_0 : i32, i32, i32
  }
  func.func @transform_2(%arg0: i32) -> (i32, i32, i32) {
    %c0_i32 = arith.constant 0 : i32
    %c0_i32_0 = arith.constant 0 : i32
    %c0_i32_1 = arith.constant 0 : i32
    return %arg0, %c0_i32, %c0_i32_0 : i32, i32, i32
  }
  func.func @transform_3(%arg0: i32) -> (i32, i32) {
    %c0_i32 = arith.constant 0 : i32
    %c0_i32_0 = arith.constant 0 : i32
    %c0_i32_1 = arith.constant 0 : i32
    return %c0_i32, %c0_i32_0 : i32, i32
  }
}

module attributes {stable_mosaic.version = 14 : i64} {
  func.func @_argmin_body(%arg0: i32, %arg1: memref<1x256x1024xf32, #tpu.memory_space<vmem>>, %arg2: memref<1x1024x256xf32, #tpu.memory_space<vmem>>, %arg3: memref<8192x256xf32, #tpu.memory_space<vmem>>, %arg4: memref<1x1x1024xi32, #tpu.memory_space<vmem>>, %arg5: memref<8192x256xf32, #tpu.memory_space<vmem>>, %arg6: memref<8192x1xf32, #tpu.memory_space<vmem>>) attributes {dimension_semantics = [#tpu.dimension_semantics<arbitrary>], iteration_bounds = array<i64: 32>, scalar_prefetch = 0 : i64, scratch_operands = 2 : i64, tpu.core_type = #tpu.core_type<tc>, window_params = [{transform_indices = @transform_0, window_bounds = array<i64: 1, 256, 1024>}, {transform_indices = @transform_1, window_bounds = array<i64: 1, 1024, 256>}, {pipeline_mode = #tpu.pipeline_mode<synchronous>, transform_indices = @transform_2, window_bounds = array<i64: 8192, 256>}, {transform_indices = @transform_3, window_bounds = array<i64: 1, 1, 1024>}]} {
    %eq3A = arith.constant 0 : i32
    %eq3A_0 = arith.cmpi eq, %arg0, %eq3A : i32
    %convert_element_type3A = arith.extui %eq3A_0 : i1 to i32
    %cond3A = arith.constant 0 : i32
    %cond3A_1 = arith.cmpi ne, %convert_element_type3A, %cond3A : i32
    scf.if %cond3A_1 {
      %get3A_219 = arith.constant 0 : index
      %get3A_220 = arith.constant 0 : index
      %get3A_221 = vector.load %arg3[%get3A_219, %get3A_220] : memref<8192x256xf32, #tpu.memory_space<vmem>>, vector<8192x256xf32>
      %mul3A_222 = arith.constant -2.000000e+00 : f32
      %mul3A_223 = vector.broadcast %mul3A_222 : f32 to vector<8192x256xf32>
      %mul3A_224 = arith.mulf %mul3A_223, %get3A_221 : vector<8192x256xf32>
      %swap3A_225 = arith.constant 0 : index
      %swap3A_226 = arith.constant 0 : index
      %swap3A_227 = vector.load %arg5[%swap3A_225, %swap3A_226] : memref<8192x256xf32, #tpu.memory_space<vmem>>, vector<8192x256xf32>
      tpu.vector_store %arg5[%swap3A_225, %swap3A_226], %mul3A_224 {strides = array<i32>} : memref<8192x256xf32, #tpu.memory_space<vmem>>, vector<8192x256xf32>,
      %mul3A_228 = arith.mulf %get3A_221, %get3A_221 : vector<8192x256xf32>
      %reduce_sum3A_229 = arith.constant dense<0.000000e+00> : vector<8192xf32>
      %reduce_sum3A_230 = vector.multi_reduction <add>, %mul3A_228, %reduce_sum3A_229 [1] : vector<8192x256xf32> to vector<8192xf32>
      %broadcast_in_dim3A_231 = vector.shape_cast %reduce_sum3A_230 : vector<8192xf32> to vector<8192x1xf32>
      %swap3A_232 = arith.constant 0 : index
      %swap3A_233 = arith.constant 0 : index
      %swap3A_234 = vector.load %arg6[%swap3A_232, %swap3A_233] : memref<8192x1xf32, #tpu.memory_space<vmem>>, vector<8192x1xf32>
      tpu.vector_store %arg6[%swap3A_232, %swap3A_233], %broadcast_in_dim3A_231 {strides = array<i32>} : memref<8192x1xf32, #tpu.memory_space<vmem>>, vector<8192x1xf32>,
    } else {
    }
    %get3A = arith.constant 0 : index
    %get3A_2 = arith.constant 0 : index
    %get3A_3 = arith.constant 0 : index
    %get3A_4 = vector.load %arg1[%get3A, %get3A_2, %get3A_3] : memref<1x256x1024xf32, #tpu.memory_space<vmem>>, vector<1x256x1024xf32>
    %get3A_5 = vector.shape_cast %get3A_4 : vector<1x256x1024xf32> to vector<256x1024xf32>
    %get3A_6 = arith.constant 0 : index
    %get3A_7 = arith.constant 0 : index
    %get3A_8 = arith.constant 0 : index
    %get3A_9 = vector.load %arg2[%get3A_6, %get3A_7, %get3A_8] : memref<1x1024x256xf32, #tpu.memory_space<vmem>>, vector<1x1024x256xf32>
    %get3A_10 = vector.shape_cast %get3A_9 : vector<1x1024x256xf32> to vector<1024x256xf32>
    %slice3A = vector.extract_strided_slice %get3A_10 {offsets = [0, 0], sizes = [1024, 128], strides = [1, 1]} : vector<1024x256xf32> to vector<1024x128xf32>
    %slice3A_11 = vector.extract_strided_slice %get3A_10 {offsets = [0, 128], sizes = [1024, 128], strides = [1, 1]} : vector<1024x256xf32> to vector<1024x128xf32>
    %mul3A = arith.mulf %slice3A, %slice3A : vector<1024x128xf32>
    %mul3A_12 = arith.mulf %slice3A_11, %slice3A_11 : vector<1024x128xf32>
    %add3A = arith.addf %mul3A, %mul3A_12 : vector<1024x128xf32>
    %reduce_sum3A = arith.constant dense<0.000000e+00> : vector<1024xf32>
    %reduce_sum3A_13 = vector.multi_reduction <add>, %add3A, %reduce_sum3A [1] : vector<1024x128xf32> to vector<1024xf32>
    %broadcast_in_dim3A = vector.shape_cast %reduce_sum3A_13 : vector<1024xf32> to vector<1024x1xf32>
    %transpose3A = tpu.transpose %broadcast_in_dim3A, [1, 0] : vector<1024x1xf32> -> vector<1x1024xf32>
    %broadcast_in_dim3A_14 = arith.constant 0x7F800000 : f32
    %broadcast_in_dim3A_15 = vector.broadcast %broadcast_in_dim3A_14 : f32 to vector<1x1024xf32>
    %broadcast_in_dim3A_16 = arith.constant 0 : i32
    %broadcast_in_dim3A_17 = vector.broadcast %broadcast_in_dim3A_16 : i32 to vector<1x1024xi32>
    %iota3A = tpu.iota {dimensions = array<i32: 0>} : vector<1368x1024xi32>
    %get3A_18 = arith.constant 0 : index
    %get3A_19 = arith.constant 0 : index
    %get3A_20 = vector.load %arg5[%get3A_18, %get3A_19] : memref<8192x256xf32, #tpu.memory_space<vmem>>, vector<1368x256xf32>
    %dot_general3A = arith.constant dense<0.000000e+00> : vector<1368x1024xf32>
    %dot_general3A_21 = tpu.matmul %get3A_20, %get3A_5, %dot_general3A {dimension_numbers = #tpu.dot_dimension_numbers<[1], [0], [0], [1], [0, 0, 1, 1], [], []>, transpose_lhs_hint = false} : vector<1368x256xf32>, vector<256x1024xf32>, vector<1368x1024xf32> -> vector<1368x1024xf32>
    %get3A_22 = arith.constant 0 : index
    %get3A_23 = arith.constant 0 : index
    %get3A_24 = vector.load %arg6[%get3A_22, %get3A_23] : memref<8192x1xf32, #tpu.memory_space<vmem>>, vector<1368x1xf32>
    %add3A_25 = vector.broadcast %transpose3A : vector<1x1024xf32> to vector<1368x1024xf32>
    %add3A_26 = vector.broadcast %get3A_24 : vector<1368x1xf32> to vector<1368x1024xf32>
    %add3A_27 = arith.addf %add3A_25, %add3A_26 : vector<1368x1024xf32>
    %add3A_28 = arith.addf %add3A_27, %dot_general3A_21 : vector<1368x1024xf32>
    %reduce_min3A = arith.constant dense<0x7F800000> : vector<1024xf32>
    %reduce_min3A_29 = vector.multi_reduction <minimumf>, %add3A_28, %reduce_min3A [0] : vector<1368x1024xf32> to vector<1024xf32>
    %broadcast_in_dim3A_30 = vector.shape_cast %reduce_min3A_29 : vector<1024xf32> to vector<1x1024xf32>
    %eq3A_31 = vector.broadcast %broadcast_in_dim3A_30 : vector<1x1024xf32> to vector<1368x1024xf32>
    %eq3A_32 = arith.cmpf oeq, %add3A_28, %eq3A_31 : vector<1368x1024xf32>
    %jit3A = arith.constant 8192 : i32
    %broadcast_in_dim3A_33 = vector.broadcast %jit3A : i32 to vector<1368x1024xi32>
    %select_n3A = arith.select %eq3A_32, %iota3A, %broadcast_in_dim3A_33 : vector<1368x1024xi1>, vector<1368x1024xi32>
    %reduce_min3A_34 = arith.constant dense<2147483647> : vector<1024xi32>
    %reduce_min3A_35 = vector.multi_reduction <minsi>, %select_n3A, %reduce_min3A_34 [0] : vector<1368x1024xi32> to vector<1024xi32>
    %broadcast_in_dim3A_36 = vector.shape_cast %reduce_min3A_35 : vector<1024xi32> to vector<1x1024xi32>
    %add3A_37 = arith.constant 0 : i32
    %add3A_38 = vector.broadcast %add3A_37 : i32 to vector<1x1024xi32>
    %add3A_39 = arith.addi %broadcast_in_dim3A_36, %add3A_38 : vector<1x1024xi32>
    %lt3A = arith.cmpf olt, %broadcast_in_dim3A_30, %broadcast_in_dim3A_15 : vector<1x1024xf32>
    %select_n3A_40 = arith.select %lt3A, %add3A_39, %broadcast_in_dim3A_17 : vector<1x1024xi1>, vector<1x1024xi32>
    %select_n3A_41 = arith.select %lt3A, %broadcast_in_dim3A_30, %broadcast_in_dim3A_15 : vector<1x1024xi1>, vector<1x1024xf32>
    %get3A_42 = arith.constant 1368 : index
    %get3A_43 = arith.constant 0 : index
    %get3A_44 = vector.load %arg5[%get3A_42, %get3A_43] : memref<8192x256xf32, #tpu.memory_space<vmem>>, vector<1368x256xf32>
    %dot_general3A_45 = arith.constant dense<0.000000e+00> : vector<1368x1024xf32>
    %dot_general3A_46 = tpu.matmul %get3A_44, %get3A_5, %dot_general3A_45 {dimension_numbers = #tpu.dot_dimension_numbers<[1], [0], [0], [1], [0, 0, 1, 1], [], []>, transpose_lhs_hint = false} : vector<1368x256xf32>, vector<256x1024xf32>, vector<1368x1024xf32> -> vector<1368x1024xf32>
    %get3A_47 = arith.constant 1368 : index
    %get3A_48 = arith.constant 0 : index
    %get3A_49 = vector.load %arg6[%get3A_47, %get3A_48] : memref<8192x1xf32, #tpu.memory_space<vmem>>, vector<1368x1xf32>
    %add3A_50 = vector.broadcast %transpose3A : vector<1x1024xf32> to vector<1368x1024xf32>
    %add3A_51 = vector.broadcast %get3A_49 : vector<1368x1xf32> to vector<1368x1024xf32>
    %add3A_52 = arith.addf %add3A_50, %add3A_51 : vector<1368x1024xf32>
    %add3A_53 = arith.addf %add3A_52, %dot_general3A_46 : vector<1368x1024xf32>
    %reduce_min3A_54 = arith.constant dense<0x7F800000> : vector<1024xf32>
    %reduce_min3A_55 = vector.multi_reduction <minimumf>, %add3A_53, %reduce_min3A_54 [0] : vector<1368x1024xf32> to vector<1024xf32>
    %broadcast_in_dim3A_56 = vector.shape_cast %reduce_min3A_55 : vector<1024xf32> to vector<1x1024xf32>
    %eq3A_57 = vector.broadcast %broadcast_in_dim3A_56 : vector<1x1024xf32> to vector<1368x1024xf32>
    %eq3A_58 = arith.cmpf oeq, %add3A_53, %eq3A_57 : vector<1368x1024xf32>
    %jit3A_59 = arith.constant 8192 : i32
    %broadcast_in_dim3A_60 = vector.broadcast %jit3A_59 : i32 to vector<1368x1024xi32>
    %select_n3A_61 = arith.select %eq3A_58, %iota3A, %broadcast_in_dim3A_60 : vector<1368x1024xi1>, vector<1368x1024xi32>
    %reduce_min3A_62 = arith.constant dense<2147483647> : vector<1024xi32>
    %reduce_min3A_63 = vector.multi_reduction <minsi>, %select_n3A_61, %reduce_min3A_62 [0] : vector<1368x1024xi32> to vector<1024xi32>
    %broadcast_in_dim3A_64 = vector.shape_cast %reduce_min3A_63 : vector<1024xi32> to vector<1x1024xi32>
    %add3A_65 = arith.constant 1368 : i32
    %add3A_66 = vector.broadcast %add3A_65 : i32 to vector<1x1024xi32>
    %add3A_67 = arith.addi %broadcast_in_dim3A_64, %add3A_66 : vector<1x1024xi32>
    %lt3A_68 = arith.cmpf olt, %broadcast_in_dim3A_56, %select_n3A_41 : vector<1x1024xf32>
    %select_n3A_69 = arith.select %lt3A_68, %add3A_67, %select_n3A_40 : vector<1x1024xi1>, vector<1x1024xi32>
    %select_n3A_70 = arith.select %lt3A_68, %broadcast_in_dim3A_56, %select_n3A_41 : vector<1x1024xi1>, vector<1x1024xf32>
    %bitcast_convert_type3A = tpu.bitcast %select_n3A_70 : vector<1x1024xf32> -> vector<1x1024xi32>
    %add3A_71 = arith.constant 32767 : i32
    %add3A_72 = vector.broadcast %add3A_71 : i32 to vector<1x1024xi32>
    %add3A_73 = arith.addi %bitcast_convert_type3A, %add3A_72 : vector<1x1024xi32>
    %shift_right_logical3A = arith.constant 16 : i32
    %shift_right_logical3A_74 = vector.broadcast %shift_right_logical3A : i32 to vector<1x1024xi32>
    %shift_right_logical3A_75 = arith.shrui %bitcast_convert_type3A, %shift_right_logical3A_74 : vector<1x1024xi32>
    %and3A = arith.constant 1 : i32
    %and3A_76 = vector.broadcast %and3A : i32 to vector<1x1024xi32>
    %and3A_77 = arith.andi %shift_right_logical3A_75, %and3A_76 : vector<1x1024xi32>
    %add3A_78 = arith.addi %add3A_73, %and3A_77 : vector<1x1024xi32>
    %and3A_79 = arith.constant -65536 : i32
    %and3A_80 = vector.broadcast %and3A_79 : i32 to vector<1x1024xi32>
    %and3A_81 = arith.andi %add3A_78, %and3A_80 : vector<1x1024xi32>
    %bitcast_convert_type3A_82 = tpu.bitcast %and3A_81 : vector<1x1024xi32> -> vector<1x1024xf32>
    %get3A_83 = arith.constant 2736 : index
    %get3A_84 = arith.constant 0 : index
    %get3A_85 = vector.load %arg5[%get3A_83, %get3A_84] : memref<8192x256xf32, #tpu.memory_space<vmem>>, vector<1368x256xf32>
    %dot_general3A_86 = arith.constant dense<0.000000e+00> : vector<1368x1024xf32>
    %dot_general3A_87 = tpu.matmul %get3A_85, %get3A_5, %dot_general3A_86 {dimension_numbers = #tpu.dot_dimension_numbers<[1], [0], [0], [1], [0, 0, 1, 1], [], []>, transpose_lhs_hint = false} : vector<1368x256xf32>, vector<256x1024xf32>, vector<1368x1024xf32> -> vector<1368x1024xf32>
    %get3A_88 = arith.constant 2736 : index
    %get3A_89 = arith.constant 0 : index
    %get3A_90 = vector.load %arg6[%get3A_88, %get3A_89] : memref<8192x1xf32, #tpu.memory_space<vmem>>, vector<1368x1xf32>
    %add3A_91 = vector.broadcast %transpose3A : vector<1x1024xf32> to vector<1368x1024xf32>
    %add3A_92 = vector.broadcast %get3A_90 : vector<1368x1xf32> to vector<1368x1024xf32>
    %add3A_93 = arith.addf %add3A_91, %add3A_92 : vector<1368x1024xf32>
    %add3A_94 = arith.addf %add3A_93, %dot_general3A_87 : vector<1368x1024xf32>
    %reduce_min3A_95 = arith.constant dense<0x7F800000> : vector<1024xf32>
    %reduce_min3A_96 = vector.multi_reduction <minimumf>, %add3A_94, %reduce_min3A_95 [0] : vector<1368x1024xf32> to vector<1024xf32>
    %broadcast_in_dim3A_97 = vector.shape_cast %reduce_min3A_96 : vector<1024xf32> to vector<1x1024xf32>
    %eq3A_98 = vector.broadcast %broadcast_in_dim3A_97 : vector<1x1024xf32> to vector<1368x1024xf32>
    %eq3A_99 = arith.cmpf oeq, %add3A_94, %eq3A_98 : vector<1368x1024xf32>
    %jit3A_100 = arith.constant 8192 : i32
    %broadcast_in_dim3A_101 = vector.broadcast %jit3A_100 : i32 to vector<1368x1024xi32>
    %select_n3A_102 = arith.select %eq3A_99, %iota3A, %broadcast_in_dim3A_101 : vector<1368x1024xi1>, vector<1368x1024xi32>
    %reduce_min3A_103 = arith.constant dense<2147483647> : vector<1024xi32>
    %reduce_min3A_104 = vector.multi_reduction <minsi>, %select_n3A_102, %reduce_min3A_103 [0] : vector<1368x1024xi32> to vector<1024xi32>
    %broadcast_in_dim3A_105 = vector.shape_cast %reduce_min3A_104 : vector<1024xi32> to vector<1x1024xi32>
    %add3A_106 = arith.constant 2736 : i32
    %add3A_107 = vector.broadcast %add3A_106 : i32 to vector<1x1024xi32>
    %add3A_108 = arith.addi %broadcast_in_dim3A_105, %add3A_107 : vector<1x1024xi32>
    %lt3A_109 = arith.cmpf olt, %broadcast_in_dim3A_97, %bitcast_convert_type3A_82 : vector<1x1024xf32>
    %select_n3A_110 = arith.select %lt3A_109, %add3A_108, %select_n3A_69 : vector<1x1024xi1>, vector<1x1024xi32>
    %select_n3A_111 = arith.select %lt3A_109, %broadcast_in_dim3A_97, %bitcast_convert_type3A_82 : vector<1x1024xi1>, vector<1x1024xf32>
    %get3A_112 = arith.constant 4104 : index
    %get3A_113 = arith.constant 0 : index
    %get3A_114 = vector.load %arg5[%get3A_112, %get3A_113] : memref<8192x256xf32, #tpu.memory_space<vmem>>, vector<1368x256xf32>
    %dot_general3A_115 = arith.constant dense<0.000000e+00> : vector<1368x1024xf32>
    %dot_general3A_116 = tpu.matmul %get3A_114, %get3A_5, %dot_general3A_115 {dimension_numbers = #tpu.dot_dimension_numbers<[1], [0], [0], [1], [0, 0, 1, 1], [], []>, transpose_lhs_hint = false} : vector<1368x256xf32>, vector<256x1024xf32>, vector<1368x1024xf32> -> vector<1368x1024xf32>
    %get3A_117 = arith.constant 4104 : index
    %get3A_118 = arith.constant 0 : index
    %get3A_119 = vector.load %arg6[%get3A_117, %get3A_118] : memref<8192x1xf32, #tpu.memory_space<vmem>>, vector<1368x1xf32>
    %add3A_120 = vector.broadcast %transpose3A : vector<1x1024xf32> to vector<1368x1024xf32>
    %add3A_121 = vector.broadcast %get3A_119 : vector<1368x1xf32> to vector<1368x1024xf32>
    %add3A_122 = arith.addf %add3A_120, %add3A_121 : vector<1368x1024xf32>
    %add3A_123 = arith.addf %add3A_122, %dot_general3A_116 : vector<1368x1024xf32>
    %reduce_min3A_124 = arith.constant dense<0x7F800000> : vector<1024xf32>
    %reduce_min3A_125 = vector.multi_reduction <minimumf>, %add3A_123, %reduce_min3A_124 [0] : vector<1368x1024xf32> to vector<1024xf32>
    %broadcast_in_dim3A_126 = vector.shape_cast %reduce_min3A_125 : vector<1024xf32> to vector<1x1024xf32>
    %eq3A_127 = vector.broadcast %broadcast_in_dim3A_126 : vector<1x1024xf32> to vector<1368x1024xf32>
    %eq3A_128 = arith.cmpf oeq, %add3A_123, %eq3A_127 : vector<1368x1024xf32>
    %jit3A_129 = arith.constant 8192 : i32
    %broadcast_in_dim3A_130 = vector.broadcast %jit3A_129 : i32 to vector<1368x1024xi32>
    %select_n3A_131 = arith.select %eq3A_128, %iota3A, %broadcast_in_dim3A_130 : vector<1368x1024xi1>, vector<1368x1024xi32>
    %reduce_min3A_132 = arith.constant dense<2147483647> : vector<1024xi32>
    %reduce_min3A_133 = vector.multi_reduction <minsi>, %select_n3A_131, %reduce_min3A_132 [0] : vector<1368x1024xi32> to vector<1024xi32>
    %broadcast_in_dim3A_134 = vector.shape_cast %reduce_min3A_133 : vector<1024xi32> to vector<1x1024xi32>
    %add3A_135 = arith.constant 4104 : i32
    %add3A_136 = vector.broadcast %add3A_135 : i32 to vector<1x1024xi32>
    %add3A_137 = arith.addi %broadcast_in_dim3A_134, %add3A_136 : vector<1x1024xi32>
    %lt3A_138 = arith.cmpf olt, %broadcast_in_dim3A_126, %select_n3A_111 : vector<1x1024xf32>
    %select_n3A_139 = arith.select %lt3A_138, %add3A_137, %select_n3A_110 : vector<1x1024xi1>, vector<1x1024xi32>
    %select_n3A_140 = arith.select %lt3A_138, %broadcast_in_dim3A_126, %select_n3A_111 : vector<1x1024xi1>, vector<1x1024xf32>
    %bitcast_convert_type3A_141 = tpu.bitcast %select_n3A_140 : vector<1x1024xf32> -> vector<1x1024xi32>
    %add3A_142 = arith.constant 32767 : i32
    %add3A_143 = vector.broadcast %add3A_142 : i32 to vector<1x1024xi32>
    %add3A_144 = arith.addi %bitcast_convert_type3A_141, %add3A_143 : vector<1x1024xi32>
    %shift_right_logical3A_145 = arith.constant 16 : i32
    %shift_right_logical3A_146 = vector.broadcast %shift_right_logical3A_145 : i32 to vector<1x1024xi32>
    %shift_right_logical3A_147 = arith.shrui %bitcast_convert_type3A_141, %shift_right_logical3A_146 : vector<1x1024xi32>
    %and3A_148 = arith.constant 1 : i32
    %and3A_149 = vector.broadcast %and3A_148 : i32 to vector<1x1024xi32>
    %and3A_150 = arith.andi %shift_right_logical3A_147, %and3A_149 : vector<1x1024xi32>
    %add3A_151 = arith.addi %add3A_144, %and3A_150 : vector<1x1024xi32>
    %and3A_152 = arith.constant -65536 : i32
    %and3A_153 = vector.broadcast %and3A_152 : i32 to vector<1x1024xi32>
    %and3A_154 = arith.andi %add3A_151, %and3A_153 : vector<1x1024xi32>
    %bitcast_convert_type3A_155 = tpu.bitcast %and3A_154 : vector<1x1024xi32> -> vector<1x1024xf32>
    %get3A_156 = arith.constant 5472 : index
    %get3A_157 = arith.constant 0 : index
    %get3A_158 = vector.load %arg5[%get3A_156, %get3A_157] : memref<8192x256xf32, #tpu.memory_space<vmem>>, vector<1368x256xf32>
    %dot_general3A_159 = arith.constant dense<0.000000e+00> : vector<1368x1024xf32>
    %dot_general3A_160 = tpu.matmul %get3A_158, %get3A_5, %dot_general3A_159 {dimension_numbers = #tpu.dot_dimension_numbers<[1], [0], [0], [1], [0, 0, 1, 1], [], []>, transpose_lhs_hint = false} : vector<1368x256xf32>, vector<256x1024xf32>, vector<1368x1024xf32> -> vector<1368x1024xf32>
    %get3A_161 = arith.constant 5472 : index
    %get3A_162 = arith.constant 0 : index
    %get3A_163 = vector.load %arg6[%get3A_161, %get3A_162] : memref<8192x1xf32, #tpu.memory_space<vmem>>, vector<1368x1xf32>
    %add3A_164 = vector.broadcast %transpose3A : vector<1x1024xf32> to vector<1368x1024xf32>
    %add3A_165 = vector.broadcast %get3A_163 : vector<1368x1xf32> to vector<1368x1024xf32>
    %add3A_166 = arith.addf %add3A_164, %add3A_165 : vector<1368x1024xf32>
    %add3A_167 = arith.addf %add3A_166, %dot_general3A_160 : vector<1368x1024xf32>
    %reduce_min3A_168 = arith.constant dense<0x7F800000> : vector<1024xf32>
    %reduce_min3A_169 = vector.multi_reduction <minimumf>, %add3A_167, %reduce_min3A_168 [0] : vector<1368x1024xf32> to vector<1024xf32>
    %broadcast_in_dim3A_170 = vector.shape_cast %reduce_min3A_169 : vector<1024xf32> to vector<1x1024xf32>
    %eq3A_171 = vector.broadcast %broadcast_in_dim3A_170 : vector<1x1024xf32> to vector<1368x1024xf32>
    %eq3A_172 = arith.cmpf oeq, %add3A_167, %eq3A_171 : vector<1368x1024xf32>
    %jit3A_173 = arith.constant 8192 : i32
    %broadcast_in_dim3A_174 = vector.broadcast %jit3A_173 : i32 to vector<1368x1024xi32>
    %select_n3A_175 = arith.select %eq3A_172, %iota3A, %broadcast_in_dim3A_174 : vector<1368x1024xi1>, vector<1368x1024xi32>
    %reduce_min3A_176 = arith.constant dense<2147483647> : vector<1024xi32>
    %reduce_min3A_177 = vector.multi_reduction <minsi>, %select_n3A_175, %reduce_min3A_176 [0] : vector<1368x1024xi32> to vector<1024xi32>
    %broadcast_in_dim3A_178 = vector.shape_cast %reduce_min3A_177 : vector<1024xi32> to vector<1x1024xi32>
    %add3A_179 = arith.constant 5472 : i32
    %add3A_180 = vector.broadcast %add3A_179 : i32 to vector<1x1024xi32>
    %add3A_181 = arith.addi %broadcast_in_dim3A_178, %add3A_180 : vector<1x1024xi32>
    %lt3A_182 = arith.cmpf olt, %broadcast_in_dim3A_170, %bitcast_convert_type3A_155 : vector<1x1024xf32>
    %select_n3A_183 = arith.select %lt3A_182, %add3A_181, %select_n3A_139 : vector<1x1024xi1>, vector<1x1024xi32>
    %select_n3A_184 = arith.select %lt3A_182, %broadcast_in_dim3A_170, %bitcast_convert_type3A_155 : vector<1x1024xi1>, vector<1x1024xf32>
    %get3A_185 = arith.constant 6840 : index
    %get3A_186 = arith.constant 0 : index
    %get3A_187 = vector.load %arg5[%get3A_185, %get3A_186] : memref<8192x256xf32, #tpu.memory_space<vmem>>, vector<1352x256xf32>
    %dot_general3A_188 = arith.constant dense<0.000000e+00> : vector<1352x1024xf32>
    %dot_general3A_189 = tpu.matmul %get3A_187, %get3A_5, %dot_general3A_188 {dimension_numbers = #tpu.dot_dimension_numbers<[1], [0], [0], [1], [0, 0, 1, 1], [], []>, transpose_lhs_hint = false} : vector<1352x256xf32>, vector<256x1024xf32>, vector<1352x1024xf32> -> vector<1352x1024xf32>
    %get3A_190 = arith.constant 6840 : index
    %get3A_191 = arith.constant 0 : index
    %get3A_192 = vector.load %arg6[%get3A_190, %get3A_191] : memref<8192x1xf32, #tpu.memory_space<vmem>>, vector<1352x1xf32>
    %add3A_193 = vector.broadcast %transpose3A : vector<1x1024xf32> to vector<1352x1024xf32>
    %add3A_194 = vector.broadcast %get3A_192 : vector<1352x1xf32> to vector<1352x1024xf32>
    %add3A_195 = arith.addf %add3A_193, %add3A_194 : vector<1352x1024xf32>
    %add3A_196 = arith.addf %add3A_195, %dot_general3A_189 : vector<1352x1024xf32>
    %reduce_min3A_197 = arith.constant dense<0x7F800000> : vector<1024xf32>
    %reduce_min3A_198 = vector.multi_reduction <minimumf>, %add3A_196, %reduce_min3A_197 [0] : vector<1352x1024xf32> to vector<1024xf32>
    %broadcast_in_dim3A_199 = vector.shape_cast %reduce_min3A_198 : vector<1024xf32> to vector<1x1024xf32>
    %slice3A_200 = vector.extract_strided_slice %iota3A {offsets = [0, 0], sizes = [1352, 1024], strides = [1, 1]} : vector<1368x1024xi32> to vector<1352x1024xi32>
    %eq3A_201 = vector.broadcast %broadcast_in_dim3A_199 : vector<1x1024xf32> to vector<1352x1024xf32>
    %eq3A_202 = arith.cmpf oeq, %add3A_196, %eq3A_201 : vector<1352x1024xf32>
    %jit3A_203 = arith.constant 8192 : i32
    %broadcast_in_dim3A_204 = vector.broadcast %jit3A_203 : i32 to vector<1352x1024xi32>
    %select_n3A_205 = arith.select %eq3A_202, %slice3A_200, %broadcast_in_dim3A_204 : vector<1352x1024xi1>, vector<1352x1024xi32>
    %reduce_min3A_206 = arith.constant dense<2147483647> : vector<1024xi32>
    %reduce_min3A_207 = vector.multi_reduction <minsi>, %select_n3A_205, %reduce_min3A_206 [0] : vector<1352x1024xi32> to vector<1024xi32>
    %broadcast_in_dim3A_208 = vector.shape_cast %reduce_min3A_207 : vector<1024xi32> to vector<1x1024xi32>
    %add3A_209 = arith.constant 6840 : i32
    %add3A_210 = vector.broadcast %add3A_209 : i32 to vector<1x1024xi32>
    %add3A_211 = arith.addi %broadcast_in_dim3A_208, %add3A_210 : vector<1x1024xi32>
    %lt3A_212 = arith.cmpf olt, %broadcast_in_dim3A_199, %select_n3A_184 : vector<1x1024xf32>
    %select_n3A_213 = arith.select %lt3A_212, %add3A_211, %select_n3A_183 : vector<1x1024xi1>, vector<1x1024xi32>
    %swap3A = arith.constant 0 : index
    %swap3A_214 = arith.constant 0 : index
    %swap3A_215 = arith.constant 0 : index
    %swap3A_216 = vector.load %arg4[%swap3A, %swap3A_214, %swap3A_215] : memref<1x1x1024xi32, #tpu.memory_space<vmem>>, vector<1x1x1024xi32>
    %swap3A_217 = vector.shape_cast %swap3A_216 : vector<1x1x1024xi32> to vector<1x1024xi32>
    %swap3A_218 = vector.shape_cast %select_n3A_213 : vector<1x1024xi32> to vector<1x1x1024xi32>
    tpu.vector_store %arg4[%swap3A, %swap3A_214, %swap3A_215], %swap3A_218 {strides = array<i32>} : memref<1x1x1024xi32, #tpu.memory_space<vmem>>, vector<1x1x1024xi32>,
    return
  }
  func.func @transform_0(%arg0: i32) -> (i32, i32, i32) {
    %c0_i32 = arith.constant 0 : i32
    %c0_i32_0 = arith.constant 0 : i32
    %c0_i32_1 = arith.constant 0 : i32
    return %arg0, %c0_i32, %c0_i32_0 : i32, i32, i32
  }
  func.func @transform_1(%arg0: i32) -> (i32, i32, i32) {
    %c0_i32 = arith.constant 0 : i32
    %c0_i32_0 = arith.constant 0 : i32
    %c0_i32_1 = arith.constant 0 : i32
    return %arg0, %c0_i32, %c0_i32_0 : i32, i32, i32
  }
  func.func @transform_2(%arg0: i32) -> (i32, i32) {
    %c0_i32 = arith.constant 0 : i32
    %c0_i32_0 = arith.constant 0 : i32
    %c0_i32_1 = arith.constant 0 : i32
    return %c0_i32, %c0_i32_0 : i32, i32
  }
  func.func @transform_3(%arg0: i32) -> (i32, i32, i32) {
    %c0_i32 = arith.constant 0 : i32
    %c0_i32_0 = arith.constant 0 : i32
    %c0_i32_1 = arith.constant 0 : i32
    return %arg0, %c0_i32, %c0_i32_0 : i32, i32, i32
  }
}

</mosaic_0001>

<sc_bundles>
// kernel: kernel.5.cloned.1.call-start
scs
__scs_entry_jumppad:
0x0: {  	(pc) =	sbr.rel $0x88, $3  }
0x1: {  	(tag) =	ssettag $0x0;
	lr =	simm.s32 $0x1  }
0x2: {  	[smem:$0x3F9F] =	sst lr;
	_ =	strace $0xD0000000  }
0x3: {  	_ = 	snop  }
0x4: {  	_ = 	snop  }
0x5: {  	_ = 	snop  }
0x6: {  	_ = 	snop  }
0x7: {  	_ = 	snop  }
__scs_overlays_trampoline_lowered:
0x8: {  	[smem:$0x3FAE] =	sst s0  }
0x9: {  	[smem:$0x3FAF] =	sst s1  }
0xa: {  	[smem:$0x3FB0] =	sst s2  }
0xb: {  	[smem:$0x3FB1] =	sst s3  }
0xc: {  	[smem:$0x3FB2] =	sst s4  }
0xd: {  	[smem:$0x3FB3] =	sst s5  }
0xe: {  	[smem:$0x3FB4] =	sst s6  }
0xf: {  	[smem:$0x3FB5] =	sst s7  }
0x10: {  	[smem:$0x3FB6] =	sst s8  }
0x11: {  	[smem:$0x3FB7] =	sst s9;
	s0 =	simm.s32 @!p0 $0x0  }
0x12: {  	s1 =	sld [smem:$0x3F9D];
	s0 =	simm.s32 @p0 $0x1  }
0x13: {  	[smem:$0x3FB8] =	sst s0;
	s0 =	simm.s32 @!p1 $0x0  }
0x14: {  	s2 =	sld [smem:$0x3F9C];
	s0 =	simm.s32 @p1 $0x1  }
0x15: {  	[smem:$0x3FB9] =	sst s0;
	s0 =	simm.s32 @!p2 $0x0  }
0x16: {  	s3 =	sld [smem:$0x3FDB];
	s0 =	simm.s32 @p2 $0x1  }
0x17: {  	s4 =	simm.s32 $0x1BF5;
	[smem:$0x3FBB] =	sst s0  }
0x18: {  	s0 =	sld [smem:$0x3F9E];
	_ =	swait.ge [sflag:s4], $0x0  }
0x19: {  	s7 =	sld [smem:$0x3F9F]  }
0x1a: {  	s8 =	sadd.s32 $0xFFFFE003, lr  }
0x1b: {  	s9 =	sadd.s32 $0xFFFFFEF7, lr;
	s5 =	simm.s32 $0xFFFFFFFF;
	p2 =	slt.u32 s8, $0xFFFFF086  }
0x1c: {  	p1 =	slt.u32 s9, $0xF7A;
	s5 =	simm.s32 @!p2 $0x0  }
0x1d: {  	s5 =	simm.s32 @p1 $0x1;
	p0 =	seq.s32 s7, s2  }
0x1e: {  	s7 =	smul.u32 @!p0 $0xF7A, s2;
	p2 =	seq.s32 @!p0 s5, $0x0  }
0x1f: {  	s9 =	smul.u32 $0xF7A, s1;
	s8 =	simm.s32 @!p0 $0x1BF5;
	p2 =	por !p2, p0  }
0x20: {  	[sflag:s8] =	ssyncset.s32 @!p0 $0xFFFFF086;
	s6 =	sadd.s32 @!p0 s3, s7;
	s7 =	simm.s32 @!p0 $0x108  }
0x21: {  	s3 =	sadd.s32 s3, s9;
	s6 =	sadd.s32 @!p0 $0x88, s6;
	s7 =	simm.s32 @p2 $0x1082  }
0x22: {  	[simem:s7], [sflag:s8] =	dma.local @!p0 [hbm:s6], $0xF7A  }
0x23: {  	s9 =	sor.u32 $0xD0000000, s2;
	s6 =	simm.s32 $0x108;
	_ =	swait.ge @!p0 [sflag:s8], $0x0  }
0x24: {  	s3 =	sadd.s32 $0x88, s3;
	s6 =	simm.s32 @!p1 $0x1082;
	[sflag:s4] =	ssyncset.s32 $0xFFFFF086  }
0x25: {  	[simem:s6], [sflag:s4] =	dma.local [hbm:s3], $0xF7A  }
0x26: {  	[smem:$0x3F9F] =	sst s1;
	(tag) =	ssettag s2;
	_ =	strace s9  }
0x27: {  	s1 =	sld [smem:$0x3FAF]  }
0x28: {  	s2 =	sld [smem:$0x3FB0]  }
0x29: {  	s4 =	sld [smem:$0x3FB2]  }
0x2a: {  	p0 =	seq.s32 s5, $0x0;
	s5 =	sld [smem:$0x3FB3]  }
0x2b: {  	s6 =	sld [smem:$0x3FB4]  }
0x2c: {  	s7 =	sld [smem:$0x3FB5]  }
0x2d: {  	s3 =	simm.s32 $0x108;
	s8 =	sld [smem:$0x3FB6]  }
0x2e: {  	s3 =	simm.s32 @!p0 $0x1082;
	s9 =	sld [smem:$0x3FB7]  }
0x2f: {  	lr =	sadd.s32 s0, s3;
	s0 =	sld [smem:$0x3FAE]  }
0x30: {  	s3 =	sld [smem:$0x3FB1]  }
0x31: {  	[smem:$0x3FBA] =	sst s10  }
0x32: {  	s10 =	sld [smem:$0x3FB8];
	_ =	sdelay $0x3  }
0x33: {  	p0 =	seq.s32 s10, $0x1;
	s10 =	sld [smem:$0x3FBA];
	_ =	sdelay $0x3  }
0x34: {  	[smem:$0x3FBA] =	sst s10  }
0x35: {  	s10 =	sld [smem:$0x3FB9];
	_ =	sdelay $0x3  }
0x36: {  	p1 =	seq.s32 s10, $0x1;
	s10 =	sld [smem:$0x3FBA];
	_ =	sdelay $0x3  }
0x37: {  	[smem:$0x3FBA] =	sst s10  }
0x38: {  	s10 =	sld [smem:$0x3FBB]  }
0x39: {  	_ = 	snop;
	(pc) =	sbr.ind lr, $3  }
0x3a: {  	_ = 	snop  }
0x3b: {  	_ = 	snop  }
0x3c: {  	p2 =	seq.s32 s10, $0x1;
	s10 =	sld [smem:$0x3FBA]  }
0x3d: {  	_ =	shalt  }
0x3e: {  	_ =	shalt  }
0x3f: {  	_ =	shalt  }
0x40: {  	_ =	shalt  }
0x41: {  	_ =	shalt  }
0x42: {  	_ =	shalt  }
0x43: {  	_ =	shalt  }
0x44: {  	_ =	shalt  }
0x45: {  	_ =	shalt  }
0x46: {  	_ =	shalt  }
0x47: {  	_ =	shalt  }
0x48: {  	_ =	shalt  }
0x49: {  	_ =	shalt  }
0x4a: {  	_ =	shalt  }
0x4b: {  	_ =	shalt  }
0x4c: {  	_ =	shalt  }
0x4d: {  	_ =	shalt  }
0x4e: {  	_ =	shalt  }
0x4f: {  	_ =	shalt  }
0x50: {  	_ =	shalt  }
0x51: {  	_ =	shalt  }
0x52: {  	_ =	shalt  }
0x53: {  	_ =	shalt  }
0x54: {  	_ =	shalt  }
0x55: {  	_ =	shalt  }
0x56: {  	_ =	shalt  }
0x57: {  	_ =	shalt  }
0x58: {  	_ =	shalt  }
0x59: {  	_ =	shalt  }
0x5a: {  	_ =	shalt  }
0x5b: {  	_ =	shalt  }
0x5c: {  	_ =	shalt  }
0x5d: {  	_ =	shalt  }
0x5e: {  	_ =	shalt  }
0x5f: {  	_ =	shalt  }
0x60: {  	_ =	shalt  }
0x61: {  	_ =	shalt  }
0x62: {  	_ =	shalt  }
0x63: {  	_ =	shalt  }
0x64: {  	_ =	shalt  }
0x65: {  	_ =	shalt  }
0x66: {  	_ =	shalt  }
0x67: {  	_ =	shalt  }
0x68: {  	_ =	shalt  }
0x69: {  	_ =	shalt  }
0x6a: {  	_ =	shalt  }
0x6b: {  	_ =	shalt  }
0x6c: {  	_ =	shalt  }
0x6d: {  	_ =	shalt  }
0x6e: {  	_ =	shalt  }
0x6f: {  	_ =	shalt  }
0x70: {  	_ =	shalt  }
0x71: {  	_ =	shalt  }
0x72: {  	_ =	shalt  }
0x73: {  	_ =	shalt  }
0x74: {  	_ =	shalt  }
0x75: {  	_ =	shalt  }
0x76: {  	_ =	shalt  }
0x77: {  	_ =	shalt  }
0x78: {  	_ =	shalt  }
0x79: {  	_ =	shalt  }
0x7a: {  	_ =	shalt  }
0x7b: {  	_ =	shalt  }
0x7c: {  	_ =	shalt  }
0x7d: {  	_ =	shalt  }
0x7e: {  	_ =	shalt  }
0x7f: {  	_ =	shalt  }
0x80: {  	_ =	shalt  }
0x81: {  	_ =	shalt  }
0x82: {  	_ =	shalt  }
0x83: {  	_ =	shalt  }
0x84: {  	_ =	shalt  }
0x85: {  	_ =	shalt  }
0x86: {  	_ =	shalt  }
0x87: {  	_ =	shalt  }
.Lfunc_end0:
.L_simem_size_0:
called_computation_lowered:
.L_overlay_start_0:
0x88: {  	s2 =	sld [smem:$0x3FD9]  }
0x89: {  	s3 =	sld [smem:$0x3FFE];
	_ =	sdelay $0x1  }
0x8a: {  	s1 =	srdreg.scid  }
0x8b: {  	s0 =	sand.u32 $0x1, s1  }
0x8c: {  	s17 =	sshll.u32 s0, $0xA;
	s2 =	sadd.s32 s3, s2  }
0x8d: {  	s2 =	sadd.s32 s2, s17  }
0x8e: {  	[smem:$0x3FC6] =	sst s2  }
0x8f: {  	_ = 	snop  }
0x90: {  	s2 =	sld [smem:$0x3FC8];
	(tm) =	ssettm $0x1  }
0x91: {  	s18 =	sld [smem:$0x3FFB];
	_ =	sdelay $0x3  }
0x92: {  	_ =	strace s18  }
0x93: {  	s3 =	sld [smem:$0x3FFC];
	_ =	sdelay $0x3  }
0x94: {  	_ =	strace s3  }
0x95: {  	s3 =	sld [smem:$0x3FFD];
	_ =	sdelay $0x3  }
0x96: {  	_ =	strace s3  }
0x97: {  	_ =	strace $0x8FFFFFFF  }
0x98: {  	s19 =	sld [smem:$0x3FDB];
	_ =	sdelay $0x1  }
0x99: {  	s4 =	simm.s32 $_scs_section_size  }
0x9a: {  	s5 =	simm.s32 $_size__tile_overlayer_lowered;
	s6 =	simm.s32 $_tile_overlayer_lowered  }
0x9b: {  	s22 =	simm.s32 $0x1BFF;
	s21 =	sshll.u32 s6, $0x1;
	s3 =	sadd.s32 s4, s19  }
0x9c: {  	s7 =	simm.s32 $0x0;
	s20 =	sshll.u32 s5, $0x1;
	s5 =	sadd.s32 s21, s3  }
0x9d: {  	[timem:s7], [sflag:s22] =	dma.local [hbm:s5], s20  }
0x9e: {  	_ =	swait.ge [sflag:s22], s20  }
0x9f: {  	s4 =	ssub.s32 $0x0, s20;
	[sflag:s22] =	ssyncset.done $0x0  }
0xa0: {  	[sflag:s22] =	ssyncadd.s32 s4;
	_ =	sdelay $0x1  }
0xa1: {  	s23 =	simm.s32 $0x1B8B  }
0xa2: {  	_ =	swait.ge [sflag:s23], $0x1  }
0xa3: {  	[sflag:s23] =	ssyncset.done $0x0  }
0xa4: {  	s25 =	simm.s32 $0x1B8E;
	s24 =	sld [smem:$0x3FFE];
	[sflag:s23] =	ssyncadd.s32 $0xFFFFFFFF  }
0xa5: {  	s26 =	simm.s32 $execute0_lowered;
	[smem:$0x3FD2] =	sst s25  }
0xa6: {  	s5 =	sshll.u32 s26, $0x1;
	_ =	strace $0x80000046;
	[dreg:$0x1] =	wrdreg $0xFFFFFFFF  }
0xa7: {  	s28 =	simm.s32 $_size_execute0_lowered;
	s3 =	sadd.s32 s3, s5;
	[dreg:$0x0] =	wrdreg $0x0  }
0xa8: {  	s5 =	sshll.u32 s28, $0x1;
	[dreg:$0x2] =	wrdreg s3  }
0xa9: {  	[dreg:$0x3] =	wrdreg s5  }
0xaa: {  	[dreg:$0x4] =	wrdreg $0xC0  }
0xab: {  	_ =	task [dreg:s7], $0x5FFFF  }
0xac: {  	[dreg:$0x1] =	wrdreg $0xFFFFFFFF  }
0xad: {  	[dreg:$0x0] =	wrdreg $0x60  }
0xae: {  	[dreg:$0x2] =	wrdreg s2  }
0xaf: {  	[dreg:$0x3] =	wrdreg s24  }
0xb0: {  	[dreg:$0x4] =	wrdreg $0x9  }
0xb1: {  	_ =	task.clear_ibuf [dreg:s7], $0x5FFFF;
	_ =	strace $0x90000046  }
0xb2: {  	s29 =	simm.s32 $0x9;
	_ =	strace $0x80000048  }
0xb3: {  	_ =	swait.ge [sflag:s29], $0x1  }
0xb4: {  	[sflag:s29] =	ssyncadd.s32 $0xFFFFFFFF  }
0xb5: {  	_ =	strace $0x90000048  }
0xb6: {  	_ =	sfence  }
0xb7: {  	s30 =	sld [smem:$0x0];
	_ =	sdelay $0x2  }
0xb8: {  	s31 =	sshll.u32 s1, $0xD;
	s1 =	sshrl.u32 s1, $0x2  }
0xb9: {  	s3 =	sand.u32 $0x4000, s31;
	s1 =	sadd.s32 s1, s30  }
0xba: {  	s0 =	sor.u32 s3, s0;
	s1 =	sshll.u32 s1, $0x11  }
0xbb: {  	s0 =	sor.u32 s1, s0  }
0xbc: {  	s0 =	sadd.s32 $0x8F2B, s0  }
0xbd: {  	[sflag:s0] =	ssyncadd.remote.s32 $0x1  }
0xbe: {  	_ =	sfence.sel $0xFFFF  }
0xbf: {  	[dreg:$0x0] =	wrdreg $0xFFFFFFFF;
	(pc) =	sbr.abs _section_cstart, $3  }
0xc0: {  	[dreg:$0x1] =	wrdreg $0xFFFFFFFF  }
0xc1: {  	_ =	task.clear_ibuf [dreg:s7], $0x2FFFF;
	_ =	strace $0x9FFFFFFF  }
0xc2: {  	(tm) =	ssettm $0x7FFFFFFF  }
0xc3: {  	_ =	shalt  }
tec
execute0_lowered:
.L_overlay_start_1:
0x0: {  	(tag) =	ssettag $0x1  }
0x1: {  	s0 =	srdreg.scid  }
0x2: {  	s1 =	stileid.u32;
	s0 =	sand.u32 $0x1, s0  }
0x3: {  	s1 =	sshll.u32 s1, $0xB;
	s3 =	sshll.u32 s0, $0xA  }
0x4: {  	s2 =	rddreg [dreg:$0x0];
	s1 =	sor.u32 s3, s1  }
0x5: {  	s4 =	rddreg [dreg:$0x1];
	s5 =	sshrl.u32 s1, $0x3  }
0x6: {  	s3 =	simm.s32 $0x0;
	s1 =	sshll.u32 s1, $0x5;
	s5 =	sadd.s32 s5, s4  }
0x7: {  	[smem:$0x7FF] =	sst s3;
	s1 =	sadd.s32 s1, s4;
	s22 =	sadd.s32 $0xC00, s5  }
0x8: {  	_ =	strace $0x80000047;
	s23 =	sadd.s32 $0x1C00, s1;
	[dreg:$0x3] =	wrdreg s22  }
0x9: {  	s12 =	simm.s32 $0x1;
	s24 =	sadd.s32 $0x2C00, s1;
	[dreg:$0x4] =	wrdreg s23  }
0xa: {  	s13 =	simm.s32 $0x2;
	s25 =	sadd.s32 $0x3C00, s1;
	[dreg:$0x5] =	wrdreg s24  }
0xb: {  	s0 =	ssub.s32 $0x2, s0;
	s26 =	sadd.s32 $0x4C00, s1;
	[dreg:$0x6] =	wrdreg s25  }
0xc: {  	s31 =	sshrl.u32 s0, $0x1;
	s28 =	sadd.s32 $0x5C00, s1;
	[dreg:$0x7] =	wrdreg s26  }
0xd: {  	s0 =	ssub.s32 s0, s31;
	s29 =	sadd.s32 $0x6C00, s1;
	[dreg:$0x8] =	wrdreg s28  }
0xe: {  	v2 =	vlaneseq.u32;
	s4 =	smax.u32 s0, $0x1;
	s30 =	sadd.s32 $0x7C00, s1;
	[dreg:$0x9] =	wrdreg s29  }
0xf: {  	vm0 =	vmmov $0xffff;
	v1 =	vshrl.u32 v2, $0x3;
	s1 =	sadd.s32 $0x8C00, s1;
	s5 =	simm.s32 $0x3;
	[dreg:$0xa] =	wrdreg s30  }
0x10: {  	v0 =	vand.u32 $0x7, v2;
	v2 =	vor.u32 $0x8, v2;
	v1 =	vmul.u32 $0x8, v1;
	[dreg:$0xb] =	wrdreg s1;
	s25 =	simm.s32 $0x400;
	s22 =	simm.s32 $0x8400  }
.LBB2_1:
0x11: {  	s14 =	rddreg [dreg:$0x3]  }
0x12: {  	[tilespmem:s3], [sflag:$0x3] =	stream.linear.gather [hbm4b:s14+s3], $0x400, $0x38;
	[tilespmem:$0x10400] =	vst v63  }
0x13: {  	_ =	swait.ge [sflag:s5], $0x400  }
0x14: {  	[sflag:s5] =	ssyncset.done $0x0  }
0x15: {  	[sflag:s5] =	ssyncadd.s32 $0xFFFFFC00  }
0x16: {  	v3 =	vld [tilespmem:$0x0];
	_ =	sdelay $0x4  }
0x17: {  	v4 =	vshll.u32 v3, $0x1  }
0x18: {  	v3 =	vand.u32 $0x7, v3;
	v4 =	vand.u32 $0xFFFFFFF0, v4  }
0x19: {  	v3 =	vor.u32 v3, v4  }
0x1a: {  	v4 =	vperm.xlane v3, v0;
	_ =	sdelay $0x1  }
0x1b: {  	v3 =	vperm.xlane v3, v2;
	v4 =	vadd.s32 v1, v4;
	_ =	sdelay $0x1  }
0x1c: {  	v3 =	vadd.s32 v1, v3;
	_ =	sdelay $0x2  }
0x1d: {  	[tilespmem:s25], [sflag:$0x1] =	stream.indirect_vreg.gather [hbm4b:s2+s3], $0x80, v4, vm0, $0xb8;
	[tilespmem:$0x10400] =	vst v63  }
0x1e: {  	s0 =	simm.s32 $0xC00  }
0x1f: {  	[tilespmem:s0], [sflag:$0x1] =	stream.indirect_vreg.gather [hbm4b:s2+s3], $0x80, v3, vm0, $0xb8;
	[tilespmem:$0x10400] =	vst v63  }
0x20: {  	v3 =	vld [tilespmem:$0x10];
	_ =	sdelay $0x4  }
0x21: {  	v57 =	vshll.u32 v3, $0x1  }
0x22: {  	v3 =	vand.u32 $0x7, v3;
	v4 =	vand.u32 $0xFFFFFFF0, v57  }
0x23: {  	v3 =	vor.u32 v3, v4  }
0x24: {  	v4 =	vperm.xlane v3, v0;
	_ =	sdelay $0x1  }
0x25: {  	v3 =	vperm.xlane v3, v2;
	v4 =	vadd.s32 v1, v4;
	_ =	sdelay $0x1  }
0x26: {  	v3 =	vadd.s32 v1, v3;
	_ =	sdelay $0x1  }
0x27: {  	s28 =	simm.s32 $0x1400  }
0x28: {  	[tilespmem:s28], [sflag:$0x1] =	stream.indirect_vreg.gather [hbm4b:s2+s3], $0x80, v4, vm0, $0xb8;
	[tilespmem:$0x10400] =	vst v63  }
0x29: {  	s29 =	simm.s32 $0x1C00  }
0x2a: {  	[tilespmem:s29], [sflag:$0x1] =	stream.indirect_vreg.gather [hbm4b:s2+s3], $0x80, v3, vm0, $0xb8;
	[tilespmem:$0x10400] =	vst v63  }
0x2b: {  	v3 =	vld [tilespmem:$0x20];
	_ =	sdelay $0x4  }
0x2c: {  	v58 =	vshll.u32 v3, $0x1  }
0x2d: {  	v3 =	vand.u32 $0x7, v3;
	v4 =	vand.u32 $0xFFFFFFF0, v58  }
0x2e: {  	v3 =	vor.u32 v3, v4  }
0x2f: {  	v4 =	vperm.xlane v3, v0;
	_ =	sdelay $0x1  }
0x30: {  	v3 =	vperm.xlane v3, v2;
	v4 =	vadd.s32 v1, v4;
	_ =	sdelay $0x1  }
0x31: {  	v3 =	vadd.s32 v1, v3;
	_ =	sdelay $0x1  }
0x32: {  	s30 =	simm.s32 $0x2400  }
0x33: {  	[tilespmem:s30], [sflag:$0x1] =	stream.indirect_vreg.gather [hbm4b:s2+s3], $0x80, v4, vm0, $0xb8;
	[tilespmem:$0x10400] =	vst v63  }
0x34: {  	s31 =	simm.s32 $0x2C00  }
0x35: {  	[tilespmem:s31], [sflag:$0x1] =	stream.indirect_vreg.gather [hbm4b:s2+s3], $0x80, v3, vm0, $0xb8;
	[tilespmem:$0x10400] =	vst v63  }
0x36: {  	v3 =	vld [tilespmem:$0x30];
	_ =	sdelay $0x4  }
0x37: {  	v59 =	vshll.u32 v3, $0x1  }
0x38: {  	v3 =	vand.u32 $0x7, v3;
	v4 =	vand.u32 $0xFFFFFFF0, v59  }
0x39: {  	v3 =	vor.u32 v3, v4  }
0x3a: {  	v4 =	vperm.xlane v3, v0;
	_ =	sdelay $0x1  }
0x3b: {  	v3 =	vperm.xlane v3, v2;
	v4 =	vadd.s32 v1, v4;
	_ =	sdelay $0x1  }
0x3c: {  	v3 =	vadd.s32 v1, v3;
	_ =	sdelay $0x1  }
0x3d: {  	s1 =	simm.s32 $0x3400  }
0x3e: {  	[tilespmem:s1], [sflag:$0x1] =	stream.indirect_vreg.gather [hbm4b:s2+s3], $0x80, v4, vm0, $0xb8;
	[tilespmem:$0x10400] =	vst v63  }
0x3f: {  	s10 =	simm.s32 $0x3C00  }
0x40: {  	[tilespmem:s10], [sflag:$0x1] =	stream.indirect_vreg.gather [hbm4b:s2+s3], $0x80, v3, vm0, $0xb8;
	[tilespmem:$0x10400] =	vst v63  }
0x41: {  	v3 =	vld [tilespmem:$0x40];
	_ =	sdelay $0x4  }
0x42: {  	v60 =	vshll.u32 v3, $0x1  }
0x43: {  	v3 =	vand.u32 $0x7, v3;
	v4 =	vand.u32 $0xFFFFFFF0, v60  }
0x44: {  	v3 =	vor.u32 v3, v4  }
0x45: {  	v4 =	vperm.xlane v3, v0;
	_ =	sdelay $0x1  }
0x46: {  	v3 =	vperm.xlane v3, v2;
	v4 =	vadd.s32 v1, v4;
	_ =	sdelay $0x1  }
0x47: {  	v3 =	vadd.s32 v1, v3;
	_ =	sdelay $0x1  }
0x48: {  	s11 =	simm.s32 $0x4400  }
0x49: {  	[tilespmem:s11], [sflag:$0x1] =	stream.indirect_vreg.gather [hbm4b:s2+s3], $0x80, v4, vm0, $0xb8;
	[tilespmem:$0x10400] =	vst v63  }
0x4a: {  	s14 =	simm.s32 $0x4C00  }
0x4b: {  	[tilespmem:s14], [sflag:$0x1] =	stream.indirect_vreg.gather [hbm4b:s2+s3], $0x80, v3, vm0, $0xb8;
	[tilespmem:$0x10400] =	vst v63  }
0x4c: {  	v3 =	vld [tilespmem:$0x50];
	_ =	sdelay $0x4  }
0x4d: {  	v61 =	vshll.u32 v3, $0x1  }
0x4e: {  	v3 =	vand.u32 $0x7, v3;
	v4 =	vand.u32 $0xFFFFFFF0, v61  }
0x4f: {  	v3 =	vor.u32 v3, v4  }
0x50: {  	v4 =	vperm.xlane v3, v0;
	_ =	sdelay $0x1  }
0x51: {  	v3 =	vperm.xlane v3, v2;
	v4 =	vadd.s32 v1, v4;
	_ =	sdelay $0x1  }
0x52: {  	v3 =	vadd.s32 v1, v3;
	_ =	sdelay $0x1  }
0x53: {  	s15 =	simm.s32 $0x5400  }
0x54: {  	[tilespmem:s15], [sflag:$0x1] =	stream.indirect_vreg.gather [hbm4b:s2+s3], $0x80, v4, vm0, $0xb8;
	[tilespmem:$0x10400] =	vst v63  }
0x55: {  	s16 =	simm.s32 $0x5C00  }
0x56: {  	[tilespmem:s16], [sflag:$0x1] =	stream.indirect_vreg.gather [hbm4b:s2+s3], $0x80, v3, vm0, $0xb8;
	[tilespmem:$0x10400] =	vst v63  }
0x57: {  	v3 =	vld [tilespmem:$0x60];
	_ =	sdelay $0x4  }
0x58: {  	v62 =	vshll.u32 v3, $0x1  }
0x59: {  	v3 =	vand.u32 $0x7, v3;
	v4 =	vand.u32 $0xFFFFFFF0, v62  }
0x5a: {  	v3 =	vor.u32 v3, v4  }
0x5b: {  	v4 =	vperm.xlane v3, v0;
	_ =	sdelay $0x1  }
0x5c: {  	v3 =	vperm.xlane v3, v2;
	v4 =	vadd.s32 v1, v4;
	_ =	sdelay $0x1  }
0x5d: {  	v3 =	vadd.s32 v1, v3;
	_ =	sdelay $0x1  }
0x5e: {  	s17 =	simm.s32 $0x6400  }
0x5f: {  	[tilespmem:s17], [sflag:$0x1] =	stream.indirect_vreg.gather [hbm4b:s2+s3], $0x80, v4, vm0, $0xb8;
	[tilespmem:$0x10400] =	vst v63  }
0x60: {  	s18 =	simm.s32 $0x6C00  }
0x61: {  	[tilespmem:s18], [sflag:$0x1] =	stream.indirect_vreg.gather [hbm4b:s2+s3], $0x80, v3, vm0, $0xb8;
	[tilespmem:$0x10400] =	vst v63  }
0x62: {  	v3 =	vld [tilespmem:$0x70];
	_ =	sdelay $0x4  }
0x63: {  	v63 =	vshll.u32 v3, $0x1  }
0x64: {  	v3 =	vand.u32 $0x7, v3;
	v4 =	vand.u32 $0xFFFFFFF0, v63  }
0x65: {  	v3 =	vor.u32 v3, v4  }
0x66: {  	v4 =	vperm.xlane v3, v0;
	_ =	sdelay $0x1  }
0x67: {  	v3 =	vperm.xlane v3, v2;
	v4 =	vadd.s32 v1, v4;
	_ =	sdelay $0x1  }
0x68: {  	v3 =	vadd.s32 v1, v3;
	_ =	sdelay $0x1  }
0x69: {  	s19 =	simm.s32 $0x7400  }
0x6a: {  	[tilespmem:s19], [sflag:$0x1] =	stream.indirect_vreg.gather [hbm4b:s2+s3], $0x80, v4, vm0, $0xb8;
	[tilespmem:$0x10400] =	vst v63  }
0x6b: {  	s20 =	simm.s32 $0x7C00  }
0x6c: {  	[tilespmem:s20], [sflag:$0x1] =	stream.indirect_vreg.gather [hbm4b:s2+s3], $0x80, v3, vm0, $0xb8;
	[tilespmem:$0x10400] =	vst v63  }
0x6d: {  	v3 =	vld [tilespmem:$0x80];
	_ =	sdelay $0x4  }
0x6e: {  	v8 =	vshll.u32 v3, $0x1  }
0x6f: {  	v3 =	vand.u32 $0x7, v3;
	v4 =	vand.u32 $0xFFFFFFF0, v8  }
0x70: {  	v3 =	vor.u32 v3, v4  }
0x71: {  	v4 =	vperm.xlane v3, v0;
	_ =	sdelay $0x1  }
0x72: {  	v3 =	vperm.xlane v3, v2;
	v4 =	vadd.s32 v1, v4;
	_ =	sdelay $0x1  }
0x73: {  	v3 =	vadd.s32 v1, v3;
	_ =	sdelay $0x2  }
0x74: {  	[tilespmem:s22], [sflag:$0x2] =	stream.indirect_vreg.gather [hbm4b:s2+s3], $0x80, v4, vm0, $0xb8;
	[tilespmem:$0x10400] =	vst v63  }
0x75: {  	s21 =	simm.s32 $0x8C00  }
0x76: {  	[tilespmem:s21], [sflag:$0x2] =	stream.indirect_vreg.gather [hbm4b:s2+s3], $0x80, v3, vm0, $0xb8;
	[tilespmem:$0x10400] =	vst v63  }
0x77: {  	v3 =	vld [tilespmem:$0x90];
	_ =	sdelay $0x4  }
0x78: {  	v9 =	vshll.u32 v3, $0x1  }
0x79: {  	v3 =	vand.u32 $0x7, v3;
	v4 =	vand.u32 $0xFFFFFFF0, v9  }
0x7a: {  	v3 =	vor.u32 v3, v4  }
0x7b: {  	v4 =	vperm.xlane v3, v0;
	_ =	sdelay $0x1  }
0x7c: {  	v3 =	vperm.xlane v3, v2;
	v4 =	vadd.s32 v1, v4;
	_ =	sdelay $0x1  }
0x7d: {  	v3 =	vadd.s32 v1, v3;
	_ =	sdelay $0x1  }
0x7e: {  	s23 =	simm.s32 $0x9400  }
0x7f: {  	[tilespmem:s23], [sflag:$0x2] =	stream.indirect_vreg.gather [hbm4b:s2+s3], $0x80, v4, vm0, $0xb8;
	[tilespmem:$0x10400] =	vst v63  }
0x80: {  	s24 =	simm.s32 $0x9C00  }
0x81: {  	[tilespmem:s24], [sflag:$0x2] =	stream.indirect_vreg.gather [hbm4b:s2+s3], $0x80, v3, vm0, $0xb8;
	[tilespmem:$0x10400] =	vst v63  }
0x82: {  	v3 =	vld [tilespmem:$0xA0];
	_ =	sdelay $0x4  }
0x83: {  	v10 =	vshll.u32 v3, $0x1  }
0x84: {  	v3 =	vand.u32 $0x7, v3;
	v4 =	vand.u32 $0xFFFFFFF0, v10  }
0x85: {  	v3 =	vor.u32 v3, v4  }
0x86: {  	v4 =	vperm.xlane v3, v0;
	_ =	sdelay $0x1  }
0x87: {  	v3 =	vperm.xlane v3, v2;
	v4 =	vadd.s32 v1, v4;
	_ =	sdelay $0x1  }
0x88: {  	v3 =	vadd.s32 v1, v3;
	_ =	sdelay $0x1  }
0x89: {  	s26 =	simm.s32 $0xA400  }
0x8a: {  	[tilespmem:s26], [sflag:$0x2] =	stream.indirect_vreg.gather [hbm4b:s2+s3], $0x80, v4, vm0, $0xb8;
	[tilespmem:$0x10400] =	vst v63  }
0x8b: {  	s28 =	simm.s32 $0xAC00  }
0x8c: {  	[tilespmem:s28], [sflag:$0x2] =	stream.indirect_vreg.gather [hbm4b:s2+s3], $0x80, v3, vm0, $0xb8;
	[tilespmem:$0x10400] =	vst v63  }
0x8d: {  	v3 =	vld [tilespmem:$0xB0];
	_ =	sdelay $0x4  }
0x8e: {  	v11 =	vshll.u32 v3, $0x1  }
0x8f: {  	v3 =	vand.u32 $0x7, v3;
	v4 =	vand.u32 $0xFFFFFFF0, v11  }
0x90: {  	v3 =	vor.u32 v3, v4  }
0x91: {  	v4 =	vperm.xlane v3, v0;
	_ =	sdelay $0x1  }
0x92: {  	v3 =	vperm.xlane v3, v2;
	v4 =	vadd.s32 v1, v4;
	_ =	sdelay $0x1  }
0x93: {  	v3 =	vadd.s32 v1, v3;
	_ =	sdelay $0x1  }
0x94: {  	s29 =	simm.s32 $0xB400  }
0x95: {  	[tilespmem:s29], [sflag:$0x2] =	stream.indirect_vreg.gather [hbm4b:s2+s3], $0x80, v4, vm0, $0xb8;
	[tilespmem:$0x10400] =	vst v63  }
0x96: {  	s30 =	simm.s32 $0xBC00  }
0x97: {  	[tilespmem:s30], [sflag:$0x2] =	stream.indirect_vreg.gather [hbm4b:s2+s3], $0x80, v3, vm0, $0xb8;
	[tilespmem:$0x10400] =	vst v63  }
0x98: {  	v3 =	vld [tilespmem:$0xC0];
	_ =	sdelay $0x4  }
0x99: {  	v12 =	vshll.u32 v3, $0x1  }
0x9a: {  	v3 =	vand.u32 $0x7, v3;
	v4 =	vand.u32 $0xFFFFFFF0, v12  }
0x9b: {  	v3 =	vor.u32 v3, v4  }
0x9c: {  	v4 =	vperm.xlane v3, v0;
	_ =	sdelay $0x1  }
0x9d: {  	v3 =	vperm.xlane v3, v2;
	v4 =	vadd.s32 v1, v4;
	_ =	sdelay $0x1  }
0x9e: {  	v3 =	vadd.s32 v1, v3;
	_ =	sdelay $0x1  }
0x9f: {  	s31 =	simm.s32 $0xC400  }
0xa0: {  	[tilespmem:s31], [sflag:$0x2] =	stream.indirect_vreg.gather [hbm4b:s2+s3], $0x80, v4, vm0, $0xb8;
	[tilespmem:$0x10400] =	vst v63  }
0xa1: {  	s0 =	simm.s32 $0xCC00  }
0xa2: {  	[tilespmem:s0], [sflag:$0x2] =	stream.indirect_vreg.gather [hbm4b:s2+s3], $0x80, v3, vm0, $0xb8;
	[tilespmem:$0x10400] =	vst v63  }
0xa3: {  	v3 =	vld [tilespmem:$0xD0];
	_ =	sdelay $0x4  }
0xa4: {  	v13 =	vshll.u32 v3, $0x1  }
0xa5: {  	v3 =	vand.u32 $0x7, v3;
	v4 =	vand.u32 $0xFFFFFFF0, v13  }
0xa6: {  	v3 =	vor.u32 v3, v4  }
0xa7: {  	v4 =	vperm.xlane v3, v0;
	_ =	sdelay $0x1  }
0xa8: {  	v3 =	vperm.xlane v3, v2;
	v4 =	vadd.s32 v1, v4;
	_ =	sdelay $0x1  }
0xa9: {  	v3 =	vadd.s32 v1, v3;
	_ =	sdelay $0x1  }
0xaa: {  	s11 =	simm.s32 $0xD400  }
0xab: {  	[tilespmem:s11], [sflag:$0x2] =	stream.indirect_vreg.gather [hbm4b:s2+s3], $0x80, v4, vm0, $0xb8;
	[tilespmem:$0x10400] =	vst v63  }
0xac: {  	s16 =	simm.s32 $0xDC00  }
0xad: {  	[tilespmem:s16], [sflag:$0x2] =	stream.indirect_vreg.gather [hbm4b:s2+s3], $0x80, v3, vm0, $0xb8;
	[tilespmem:$0x10400] =	vst v63  }
0xae: {  	v3 =	vld [tilespmem:$0xE0];
	_ =	sdelay $0x4  }
0xaf: {  	v14 =	vshll.u32 v3, $0x1  }
0xb0: {  	v3 =	vand.u32 $0x7, v3;
	v4 =	vand.u32 $0xFFFFFFF0, v14  }
0xb1: {  	v3 =	vor.u32 v3, v4  }
0xb2: {  	v4 =	vperm.xlane v3, v0;
	_ =	sdelay $0x1  }
0xb3: {  	v3 =	vperm.xlane v3, v2;
	v4 =	vadd.s32 v1, v4;
	_ =	sdelay $0x1  }
0xb4: {  	v3 =	vadd.s32 v1, v3;
	_ =	sdelay $0x1  }
0xb5: {  	s17 =	simm.s32 $0xE400  }
0xb6: {  	[tilespmem:s17], [sflag:$0x2] =	stream.indirect_vreg.gather [hbm4b:s2+s3], $0x80, v4, vm0, $0xb8;
	[tilespmem:$0x10400] =	vst v63  }
0xb7: {  	s18 =	simm.s32 $0xEC00  }
0xb8: {  	[tilespmem:s18], [sflag:$0x2] =	stream.indirect_vreg.gather [hbm4b:s2+s3], $0x80, v3, vm0, $0xb8;
	[tilespmem:$0x10400] =	vst v63  }
0xb9: {  	v3 =	vld [tilespmem:$0xF0];
	_ =	sdelay $0x4  }
0xba: {  	v15 =	vshll.u32 v3, $0x1  }
0xbb: {  	v3 =	vand.u32 $0x7, v3;
	v4 =	vand.u32 $0xFFFFFFF0, v15  }
0xbc: {  	v3 =	vor.u32 v3, v4  }
0xbd: {  	v4 =	vperm.xlane v3, v0;
	_ =	sdelay $0x1  }
0xbe: {  	v3 =	vperm.xlane v3, v2;
	v4 =	vadd.s32 v1, v4;
	_ =	sdelay $0x1  }
0xbf: {  	v3 =	vadd.s32 v1, v3;
	_ =	sdelay $0x1  }
0xc0: {  	s19 =	simm.s32 $0xF400  }
0xc1: {  	[tilespmem:s19], [sflag:$0x2] =	stream.indirect_vreg.gather [hbm4b:s2+s3], $0x80, v4, vm0, $0xb8;
	[tilespmem:$0x10400] =	vst v63  }
0xc2: {  	s26 =	simm.s32 $0xFC00  }
0xc3: {  	[tilespmem:s26], [sflag:$0x2] =	stream.indirect_vreg.gather [hbm4b:s2+s3], $0x80, v3, vm0, $0xb8;
	[tilespmem:$0x10400] =	vst v63  }
0xc4: {  	_ =	swait.ge [sflag:s12], $0x8000  }
0xc5: {  	[sflag:s12] =	ssyncset.done $0x0  }
0xc6: {  	s0 =	rddreg [dreg:$0x4];
	[sflag:s12] =	ssyncadd.s32 $0xFFFF8000  }
0xc7: {  	[hbm4b:s0+s3] =	stream.linear.scatter [tilespmem:s25], [sflag:$0x3], $0x8000, $0x38;
	[tilespmem:$0x10400] =	vst v63  }
0xc8: {  	_ =	swait.ge [sflag:s5], $0x8000  }
0xc9: {  	[sflag:s5] =	ssyncset.done $0x0  }
0xca: {  	[sflag:s5] =	ssyncadd.s32 $0xFFFF8000  }
0xcb: {  	v3 =	vld [tilespmem:$0x100];
	_ =	sdelay $0x4  }
0xcc: {  	v16 =	vshll.u32 v3, $0x1  }
0xcd: {  	v3 =	vand.u32 $0x7, v3;
	v4 =	vand.u32 $0xFFFFFFF0, v16  }
0xce: {  	v3 =	vor.u32 v3, v4  }
0xcf: {  	v4 =	vperm.xlane v3, v0;
	_ =	sdelay $0x1  }
0xd0: {  	v3 =	vperm.xlane v3, v2;
	v4 =	vadd.s32 v1, v4;
	_ =	sdelay $0x1  }
0xd1: {  	v3 =	vadd.s32 v1, v3;
	_ =	sdelay $0x2  }
0xd2: {  	[tilespmem:s25], [sflag:$0x1] =	stream.indirect_vreg.gather [hbm4b:s2+s3], $0x80, v4, vm0, $0xb8;
	[tilespmem:$0x10400] =	vst v63  }
0xd3: {  	s8 =	simm.s32 $0xC00  }
0xd4: {  	[tilespmem:s8], [sflag:$0x1] =	stream.indirect_vreg.gather [hbm4b:s2+s3], $0x80, v3, vm0, $0xb8;
	[tilespmem:$0x10400] =	vst v63  }
0xd5: {  	v3 =	vld [tilespmem:$0x110];
	_ =	sdelay $0x4  }
0xd6: {  	v17 =	vshll.u32 v3, $0x1  }
0xd7: {  	v3 =	vand.u32 $0x7, v3;
	v4 =	vand.u32 $0xFFFFFFF0, v17  }
0xd8: {  	v3 =	vor.u32 v3, v4  }
0xd9: {  	v4 =	vperm.xlane v3, v0;
	_ =	sdelay $0x1  }
0xda: {  	v3 =	vperm.xlane v3, v2;
	v4 =	vadd.s32 v1, v4;
	_ =	sdelay $0x1  }
0xdb: {  	v3 =	vadd.s32 v1, v3;
	_ =	sdelay $0x1  }
0xdc: {  	s6 =	simm.s32 $0x1400  }
0xdd: {  	[tilespmem:s6], [sflag:$0x1] =	stream.indirect_vreg.gather [hbm4b:s2+s3], $0x80, v4, vm0, $0xb8;
	[tilespmem:$0x10400] =	vst v63  }
0xde: {  	s9 =	simm.s32 $0x1C00  }
0xdf: {  	[tilespmem:s9], [sflag:$0x1] =	stream.indirect_vreg.gather [hbm4b:s2+s3], $0x80, v3, vm0, $0xb8;
	[tilespmem:$0x10400] =	vst v63  }
0xe0: {  	v3 =	vld [tilespmem:$0x120];
	_ =	sdelay $0x4  }
0xe1: {  	v18 =	vshll.u32 v3, $0x1  }
0xe2: {  	v3 =	vand.u32 $0x7, v3;
	v4 =	vand.u32 $0xFFFFFFF0, v18  }
0xe3: {  	v3 =	vor.u32 v3, v4  }
0xe4: {  	v4 =	vperm.xlane v3, v0;
	_ =	sdelay $0x1  }
0xe5: {  	v3 =	vperm.xlane v3, v2;
	v4 =	vadd.s32 v1, v4;
	_ =	sdelay $0x1  }
0xe6: {  	v3 =	vadd.s32 v1, v3;
	_ =	sdelay $0x1  }
0xe7: {  	s7 =	simm.s32 $0x2400  }
0xe8: {  	[tilespmem:s7], [sflag:$0x1] =	stream.indirect_vreg.gather [hbm4b:s2+s3], $0x80, v4, vm0, $0xb8;
	[tilespmem:$0x10400] =	vst v63  }
0xe9: {  	s19 =	simm.s32 $0x2C00  }
0xea: {  	[tilespmem:s19], [sflag:$0x1] =	stream.indirect_vreg.gather [hbm4b:s2+s3], $0x80, v3, vm0, $0xb8;
	[tilespmem:$0x10400] =	vst v63  }
0xeb: {  	v3 =	vld [tilespmem:$0x130];
	_ =	sdelay $0x4  }
0xec: {  	v19 =	vshll.u32 v3, $0x1  }
0xed: {  	v3 =	vand.u32 $0x7, v3;
	v4 =	vand.u32 $0xFFFFFFF0, v19  }
0xee: {  	v3 =	vor.u32 v3, v4  }
0xef: {  	v4 =	vperm.xlane v3, v0;
	_ =	sdelay $0x1  }
0xf0: {  	v3 =	vperm.xlane v3, v2;
	v4 =	vadd.s32 v1, v4;
	_ =	sdelay $0x1  }
0xf1: {  	v3 =	vadd.s32 v1, v3;
	_ =	sdelay $0x1  }
0xf2: {  	s8 =	simm.s32 $0x3400  }
0xf3: {  	[tilespmem:s8], [sflag:$0x1] =	stream.indirect_vreg.gather [hbm4b:s2+s3], $0x80, v4, vm0, $0xb8;
	[tilespmem:$0x10400] =	vst v63  }
0xf4: {  	s10 =	simm.s32 $0x3C00  }
0xf5: {  	[tilespmem:s10], [sflag:$0x1] =	stream.indirect_vreg.gather [hbm4b:s2+s3], $0x80, v3, vm0, $0xb8;
	[tilespmem:$0x10400] =	vst v63  }
0xf6: {  	v3 =	vld [tilespmem:$0x140];
	_ =	sdelay $0x4  }
0xf7: {  	v20 =	vshll.u32 v3, $0x1  }
0xf8: {  	v3 =	vand.u32 $0x7, v3;
	v4 =	vand.u32 $0xFFFFFFF0, v20  }
0xf9: {  	v3 =	vor.u32 v3, v4  }
0xfa: {  	v4 =	vperm.xlane v3, v0;
	_ =	sdelay $0x1  }
0xfb: {  	v3 =	vperm.xlane v3, v2;
	v4 =	vadd.s32 v1, v4;
	_ =	sdelay $0x1  }
0xfc: {  	v3 =	vadd.s32 v1, v3;
	_ =	sdelay $0x1  }
0xfd: {  	s9 =	simm.s32 $0x4400  }
0xfe: {  	[tilespmem:s9], [sflag:$0x1] =	stream.indirect_vreg.gather [hbm4b:s2+s3], $0x80, v4, vm0, $0xb8;
	[tilespmem:$0x10400] =	vst v63  }
0xff: {  	s11 =	simm.s32 $0x4C00  }
0x100: {  	[tilespmem:s11], [sflag:$0x1] =	stream.indirect_vreg.gather [hbm4b:s2+s3], $0x80, v3, vm0, $0xb8;
	[tilespmem:$0x10400] =	vst v63  }
0x101: {  	v3 =	vld [tilespmem:$0x150];
	_ =	sdelay $0x4  }
0x102: {  	v21 =	vshll.u32 v3, $0x1  }
0x103: {  	v3 =	vand.u32 $0x7, v3;
	v4 =	vand.u32 $0xFFFFFFF0, v21  }
0x104: {  	v3 =	vor.u32 v3, v4  }
0x105: {  	v4 =	vperm.xlane v3, v0;
	_ =	sdelay $0x1  }
0x106: {  	v3 =	vperm.xlane v3, v2;
	v4 =	vadd.s32 v1, v4;
	_ =	sdelay $0x1  }
0x107: {  	v3 =	vadd.s32 v1, v3;
	_ =	sdelay $0x1  }
0x108: {  	s10 =	simm.s32 $0x5400  }
0x109: {  	[tilespmem:s10], [sflag:$0x1] =	stream.indirect_vreg.gather [hbm4b:s2+s3], $0x80, v4, vm0, $0xb8;
	[tilespmem:$0x10400] =	vst v63  }
0x10a: {  	s15 =	simm.s32 $0x5C00  }
0x10b: {  	[tilespmem:s15], [sflag:$0x1] =	stream.indirect_vreg.gather [hbm4b:s2+s3], $0x80, v3, vm0, $0xb8;
	[tilespmem:$0x10400] =	vst v63  }
0x10c: {  	v3 =	vld [tilespmem:$0x160];
	_ =	sdelay $0x4  }
0x10d: {  	v22 =	vshll.u32 v3, $0x1  }
0x10e: {  	v3 =	vand.u32 $0x7, v3;
	v4 =	vand.u32 $0xFFFFFFF0, v22  }
0x10f: {  	v3 =	vor.u32 v3, v4  }
0x110: {  	v4 =	vperm.xlane v3, v0;
	_ =	sdelay $0x1  }
0x111: {  	v3 =	vperm.xlane v3, v2;
	v4 =	vadd.s32 v1, v4;
	_ =	sdelay $0x1  }
0x112: {  	v3 =	vadd.s32 v1, v3;
	_ =	sdelay $0x1  }
0x113: {  	s15 =	simm.s32 $0x6400  }
0x114: {  	[tilespmem:s15], [sflag:$0x1] =	stream.indirect_vreg.gather [hbm4b:s2+s3], $0x80, v4, vm0, $0xb8;
	[tilespmem:$0x10400] =	vst v63  }
0x115: {  	s16 =	simm.s32 $0x6C00  }
0x116: {  	[tilespmem:s16], [sflag:$0x1] =	stream.indirect_vreg.gather [hbm4b:s2+s3], $0x80, v3, vm0, $0xb8;
	[tilespmem:$0x10400] =	vst v63  }
0x117: {  	v3 =	vld [tilespmem:$0x170];
	_ =	sdelay $0x4  }
0x118: {  	v23 =	vshll.u32 v3, $0x1  }
0x119: {  	v3 =	vand.u32 $0x7, v3;
	v4 =	vand.u32 $0xFFFFFFF0, v23  }
0x11a: {  	v3 =	vor.u32 v3, v4  }
0x11b: {  	v4 =	vperm.xlane v3, v0;
	_ =	sdelay $0x1  }
0x11c: {  	v3 =	vperm.xlane v3, v2;
	v4 =	vadd.s32 v1, v4;
	_ =	sdelay $0x1  }
0x11d: {  	v3 =	vadd.s32 v1, v3;
	_ =	sdelay $0x1  }
0x11e: {  	s17 =	simm.s32 $0x7400  }
0x11f: {  	[tilespmem:s17], [sflag:$0x1] =	stream.indirect_vreg.gather [hbm4b:s2+s3], $0x80, v4, vm0, $0xb8;
	[tilespmem:$0x10400] =	vst v63  }
0x120: {  	s18 =	simm.s32 $0x7C00  }
0x121: {  	[tilespmem:s18], [sflag:$0x1] =	stream.indirect_vreg.gather [hbm4b:s2+s3], $0x80, v3, vm0, $0xb8;
	[tilespmem:$0x10400] =	vst v63  }
0x122: {  	_ =	swait.ge [sflag:s13], $0x8000  }
0x123: {  	[sflag:s13] =	ssyncset.done $0x0  }
0x124: {  	s7 =	rddreg [dreg:$0x5];
	[sflag:s13] =	ssyncadd.s32 $0xFFFF8000  }
0x125: {  	[hbm4b:s7+s3] =	stream.linear.scatter [tilespmem:s22], [sflag:$0x3], $0x8000, $0x38;
	[tilespmem:$0x10400] =	vst v63  }
0x126: {  	_ =	swait.ge [sflag:s5], $0x8000  }
0x127: {  	[sflag:s5] =	ssyncset.done $0x0  }
0x128: {  	[sflag:s5] =	ssyncadd.s32 $0xFFFF8000  }
0x129: {  	v3 =	vld [tilespmem:$0x180];
	_ =	sdelay $0x4  }
0x12a: {  	v24 =	vshll.u32 v3, $0x1  }
0x12b: {  	v3 =	vand.u32 $0x7, v3;
	v4 =	vand.u32 $0xFFFFFFF0, v24  }
0x12c: {  	v3 =	vor.u32 v3, v4  }
0x12d: {  	v4 =	vperm.xlane v3, v0;
	_ =	sdelay $0x1  }
0x12e: {  	v3 =	vperm.xlane v3, v2;
	v4 =	vadd.s32 v1, v4;
	_ =	sdelay $0x1  }
0x12f: {  	v3 =	vadd.s32 v1, v3;
	_ =	sdelay $0x2  }
0x130: {  	[tilespmem:s22], [sflag:$0x2] =	stream.indirect_vreg.gather [hbm4b:s2+s3], $0x80, v4, vm0, $0xb8;
	[tilespmem:$0x10400] =	vst v63  }
0x131: {  	s1 =	simm.s32 $0x8C00  }
0x132: {  	[tilespmem:s1], [sflag:$0x2] =	stream.indirect_vreg.gather [hbm4b:s2+s3], $0x80, v3, vm0, $0xb8;
	[tilespmem:$0x10400] =	vst v63  }
0x133: {  	v3 =	vld [tilespmem:$0x190];
	_ =	sdelay $0x4  }
0x134: {  	v25 =	vshll.u32 v3, $0x1  }
0x135: {  	v3 =	vand.u32 $0x7, v3;
	v4 =	vand.u32 $0xFFFFFFF0, v25  }
0x136: {  	v3 =	vor.u32 v3, v4  }
0x137: {  	v4 =	vperm.xlane v3, v0;
	_ =	sdelay $0x1  }
0x138: {  	v3 =	vperm.xlane v3, v2;
	v4 =	vadd.s32 v1, v4;
	_ =	sdelay $0x1  }
0x139: {  	v3 =	vadd.s32 v1, v3;
	_ =	sdelay $0x1  }
0x13a: {  	s0 =	simm.s32 $0x9400  }
0x13b: {  	[tilespmem:s0], [sflag:$0x2] =	stream.indirect_vreg.gather [hbm4b:s2+s3], $0x80, v4, vm0, $0xb8;
	[tilespmem:$0x10400] =	vst v63  }
0x13c: {  	s6 =	simm.s32 $0x9C00  }
0x13d: {  	[tilespmem:s6], [sflag:$0x2] =	stream.indirect_vreg.gather [hbm4b:s2+s3], $0x80, v3, vm0, $0xb8;
	[tilespmem:$0x10400] =	vst v63  }
0x13e: {  	v3 =	vld [tilespmem:$0x1A0];
	_ =	sdelay $0x4  }
0x13f: {  	v26 =	vshll.u32 v3, $0x1  }
0x140: {  	v3 =	vand.u32 $0x7, v3;
	v4 =	vand.u32 $0xFFFFFFF0, v26  }
0x141: {  	v3 =	vor.u32 v3, v4  }
0x142: {  	v4 =	vperm.xlane v3, v0;
	_ =	sdelay $0x1  }
0x143: {  	v3 =	vperm.xlane v3, v2;
	v4 =	vadd.s32 v1, v4;
	_ =	sdelay $0x1  }
0x144: {  	v3 =	vadd.s32 v1, v3;
	_ =	sdelay $0x1  }
0x145: {  	s1 =	simm.s32 $0xA400  }
0x146: {  	[tilespmem:s1], [sflag:$0x2] =	stream.indirect_vreg.gather [hbm4b:s2+s3], $0x80, v4, vm0, $0xb8;
	[tilespmem:$0x10400] =	vst v63  }
0x147: {  	s7 =	simm.s32 $0xAC00  }
0x148: {  	[tilespmem:s7], [sflag:$0x2] =	stream.indirect_vreg.gather [hbm4b:s2+s3], $0x80, v3, vm0, $0xb8;
	[tilespmem:$0x10400] =	vst v63  }
0x149: {  	v3 =	vld [tilespmem:$0x1B0];
	_ =	sdelay $0x4  }
0x14a: {  	v27 =	vshll.u32 v3, $0x1  }
0x14b: {  	v3 =	vand.u32 $0x7, v3;
	v4 =	vand.u32 $0xFFFFFFF0, v27  }
0x14c: {  	v3 =	vor.u32 v3, v4  }
0x14d: {  	v4 =	vperm.xlane v3, v0;
	_ =	sdelay $0x1  }
0x14e: {  	v3 =	vperm.xlane v3, v2;
	v4 =	vadd.s32 v1, v4;
	_ =	sdelay $0x1  }
0x14f: {  	v3 =	vadd.s32 v1, v3;
	_ =	sdelay $0x1  }
0x150: {  	s28 =	simm.s32 $0xB400  }
0x151: {  	[tilespmem:s28], [sflag:$0x2] =	stream.indirect_vreg.gather [hbm4b:s2+s3], $0x80, v4, vm0, $0xb8;
	[tilespmem:$0x10400] =	vst v63  }
0x152: {  	s21 =	simm.s32 $0xBC00  }
0x153: {  	[tilespmem:s21], [sflag:$0x2] =	stream.indirect_vreg.gather [hbm4b:s2+s3], $0x80, v3, vm0, $0xb8;
	[tilespmem:$0x10400] =	vst v63  }
0x154: {  	v3 =	vld [tilespmem:$0x1C0];
	_ =	sdelay $0x4  }
0x155: {  	v28 =	vshll.u32 v3, $0x1  }
0x156: {  	v3 =	vand.u32 $0x7, v3;
	v4 =	vand.u32 $0xFFFFFFF0, v28  }
0x157: {  	v3 =	vor.u32 v3, v4  }
0x158: {  	v4 =	vperm.xlane v3, v0;
	_ =	sdelay $0x1  }
0x159: {  	v3 =	vperm.xlane v3, v2;
	v4 =	vadd.s32 v1, v4;
	_ =	sdelay $0x1  }
0x15a: {  	v3 =	vadd.s32 v1, v3;
	_ =	sdelay $0x1  }
0x15b: {  	s31 =	simm.s32 $0xC400  }
0x15c: {  	[tilespmem:s31], [sflag:$0x2] =	stream.indirect_vreg.gather [hbm4b:s2+s3], $0x80, v4, vm0, $0xb8;
	[tilespmem:$0x10400] =	vst v63  }
0x15d: {  	s20 =	simm.s32 $0xCC00  }
0x15e: {  	[tilespmem:s20], [sflag:$0x2] =	stream.indirect_vreg.gather [hbm4b:s2+s3], $0x80, v3, vm0, $0xb8;
	[tilespmem:$0x10400] =	vst v63  }
0x15f: {  	v3 =	vld [tilespmem:$0x1D0];
	_ =	sdelay $0x4  }
0x160: {  	v29 =	vshll.u32 v3, $0x1  }
0x161: {  	v3 =	vand.u32 $0x7, v3;
	v4 =	vand.u32 $0xFFFFFFF0, v29  }
0x162: {  	v3 =	vor.u32 v3, v4  }
0x163: {  	v4 =	vperm.xlane v3, v0;
	_ =	sdelay $0x1  }
0x164: {  	v3 =	vperm.xlane v3, v2;
	v4 =	vadd.s32 v1, v4;
	_ =	sdelay $0x1  }
0x165: {  	v3 =	vadd.s32 v1, v3;
	_ =	sdelay $0x1  }
0x166: {  	s29 =	simm.s32 $0xD400  }
0x167: {  	[tilespmem:s29], [sflag:$0x2] =	stream.indirect_vreg.gather [hbm4b:s2+s3], $0x80, v4, vm0, $0xb8;
	[tilespmem:$0x10400] =	vst v63  }
0x168: {  	s23 =	simm.s32 $0xDC00  }
0x169: {  	[tilespmem:s23], [sflag:$0x2] =	stream.indirect_vreg.gather [hbm4b:s2+s3], $0x80, v3, vm0, $0xb8;
	[tilespmem:$0x10400] =	vst v63  }
0x16a: {  	v3 =	vld [tilespmem:$0x1E0];
	_ =	sdelay $0x4  }
0x16b: {  	v30 =	vshll.u32 v3, $0x1  }
0x16c: {  	v3 =	vand.u32 $0x7, v3;
	v4 =	vand.u32 $0xFFFFFFF0, v30  }
0x16d: {  	v3 =	vor.u32 v3, v4  }
0x16e: {  	v4 =	vperm.xlane v3, v0;
	_ =	sdelay $0x1  }
0x16f: {  	v3 =	vperm.xlane v3, v2;
	v4 =	vadd.s32 v1, v4;
	_ =	sdelay $0x1  }
0x170: {  	v3 =	vadd.s32 v1, v3;
	_ =	sdelay $0x1  }
0x171: {  	s30 =	simm.s32 $0xE400  }
0x172: {  	[tilespmem:s30], [sflag:$0x2] =	stream.indirect_vreg.gather [hbm4b:s2+s3], $0x80, v4, vm0, $0xb8;
	[tilespmem:$0x10400] =	vst v63  }
0x173: {  	s24 =	simm.s32 $0xEC00  }
0x174: {  	[tilespmem:s24], [sflag:$0x2] =	stream.indirect_vreg.gather [hbm4b:s2+s3], $0x80, v3, vm0, $0xb8;
	[tilespmem:$0x10400] =	vst v63  }
0x175: {  	v3 =	vld [tilespmem:$0x1F0];
	_ =	sdelay $0x4  }
0x176: {  	v31 =	vshll.u32 v3, $0x1  }
0x177: {  	v3 =	vand.u32 $0x7, v3;
	v4 =	vand.u32 $0xFFFFFFF0, v31  }
0x178: {  	v3 =	vor.u32 v3, v4  }
0x179: {  	v4 =	vperm.xlane v3, v0;
	_ =	sdelay $0x1  }
0x17a: {  	v3 =	vperm.xlane v3, v2;
	v4 =	vadd.s32 v1, v4;
	_ =	sdelay $0x1  }
0x17b: {  	v3 =	vadd.s32 v1, v3;
	_ =	sdelay $0x1  }
0x17c: {  	s24 =	simm.s32 $0xF400  }
0x17d: {  	[tilespmem:s24], [sflag:$0x2] =	stream.indirect_vreg.gather [hbm4b:s2+s3], $0x80, v4, vm0, $0xb8;
	[tilespmem:$0x10400] =	vst v63  }
0x17e: {  	s26 =	simm.s32 $0xFC00  }
0x17f: {  	[tilespmem:s26], [sflag:$0x2] =	stream.indirect_vreg.gather [hbm4b:s2+s3], $0x80, v3, vm0, $0xb8;
	[tilespmem:$0x10400] =	vst v63  }
0x180: {  	_ =	swait.ge [sflag:s12], $0x8000  }
0x181: {  	[sflag:s12] =	ssyncset.done $0x0  }
0x182: {  	s26 =	rddreg [dreg:$0x6];
	[sflag:s12] =	ssyncadd.s32 $0xFFFF8000  }
0x183: {  	[hbm4b:s26+s3] =	stream.linear.scatter [tilespmem:s25], [sflag:$0x3], $0x8000, $0x38;
	[tilespmem:$0x10400] =	vst v63  }
0x184: {  	_ =	swait.ge [sflag:s5], $0x8000  }
0x185: {  	[sflag:s5] =	ssyncset.done $0x0  }
0x186: {  	[sflag:s5] =	ssyncadd.s32 $0xFFFF8000  }
0x187: {  	v3 =	vld [tilespmem:$0x200];
	_ =	sdelay $0x4  }
0x188: {  	v32 =	vshll.u32 v3, $0x1  }
0x189: {  	v3 =	vand.u32 $0x7, v3;
	v4 =	vand.u32 $0xFFFFFFF0, v32  }
0x18a: {  	v3 =	vor.u32 v3, v4  }
0x18b: {  	v4 =	vperm.xlane v3, v0;
	_ =	sdelay $0x1  }
0x18c: {  	v3 =	vperm.xlane v3, v2;
	v4 =	vadd.s32 v1, v4;
	_ =	sdelay $0x1  }
0x18d: {  	v3 =	vadd.s32 v1, v3;
	_ =	sdelay $0x2  }
0x18e: {  	[tilespmem:s25], [sflag:$0x1] =	stream.indirect_vreg.gather [hbm4b:s2+s3], $0x80, v4, vm0, $0xb8;
	[tilespmem:$0x10400] =	vst v63  }
0x18f: {  	s24 =	simm.s32 $0xC00  }
0x190: {  	[tilespmem:s24], [sflag:$0x1] =	stream.indirect_vreg.gather [hbm4b:s2+s3], $0x80, v3, vm0, $0xb8;
	[tilespmem:$0x10400] =	vst v63  }
0x191: {  	v3 =	vld [tilespmem:$0x210];
	_ =	sdelay $0x4  }
0x192: {  	v33 =	vshll.u32 v3, $0x1  }
0x193: {  	v3 =	vand.u32 $0x7, v3;
	v4 =	vand.u32 $0xFFFFFFF0, v33  }
0x194: {  	v3 =	vor.u32 v3, v4  }
0x195: {  	v4 =	vperm.xlane v3, v0;
	_ =	sdelay $0x1  }
0x196: {  	v3 =	vperm.xlane v3, v2;
	v4 =	vadd.s32 v1, v4;
	_ =	sdelay $0x1  }
0x197: {  	v3 =	vadd.s32 v1, v3;
	_ =	sdelay $0x1  }
0x198: {  	s26 =	simm.s32 $0x1400  }
0x199: {  	[tilespmem:s26], [sflag:$0x1] =	stream.indirect_vreg.gather [hbm4b:s2+s3], $0x80, v4, vm0, $0xb8;
	[tilespmem:$0x10400] =	vst v63  }
0x19a: {  	s24 =	simm.s32 $0x1C00  }
0x19b: {  	[tilespmem:s24], [sflag:$0x1] =	stream.indirect_vreg.gather [hbm4b:s2+s3], $0x80, v3, vm0, $0xb8;
	[tilespmem:$0x10400] =	vst v63  }
0x19c: {  	v3 =	vld [tilespmem:$0x220];
	_ =	sdelay $0x4  }
0x19d: {  	v34 =	vshll.u32 v3, $0x1  }
0x19e: {  	v3 =	vand.u32 $0x7, v3;
	v4 =	vand.u32 $0xFFFFFFF0, v34  }
0x19f: {  	v3 =	vor.u32 v3, v4  }
0x1a0: {  	v4 =	vperm.xlane v3, v0;
	_ =	sdelay $0x1  }
0x1a1: {  	v3 =	vperm.xlane v3, v2;
	v4 =	vadd.s32 v1, v4;
	_ =	sdelay $0x1  }
0x1a2: {  	v3 =	vadd.s32 v1, v3;
	_ =	sdelay $0x1  }
0x1a3: {  	s26 =	simm.s32 $0x2400  }
0x1a4: {  	[tilespmem:s26], [sflag:$0x1] =	stream.indirect_vreg.gather [hbm4b:s2+s3], $0x80, v4, vm0, $0xb8;
	[tilespmem:$0x10400] =	vst v63  }
0x1a5: {  	_ = 	snop  }
0x1a6: {  	[tilespmem:s19], [sflag:$0x1] =	stream.indirect_vreg.gather [hbm4b:s2+s3], $0x80, v3, vm0, $0xb8;
	[tilespmem:$0x10400] =	vst v63  }
0x1a7: {  	v3 =	vld [tilespmem:$0x230];
	_ =	sdelay $0x4  }
0x1a8: {  	v35 =	vshll.u32 v3, $0x1  }
0x1a9: {  	v3 =	vand.u32 $0x7, v3;
	v4 =	vand.u32 $0xFFFFFFF0, v35  }
0x1aa: {  	v3 =	vor.u32 v3, v4  }
0x1ab: {  	v4 =	vperm.xlane v3, v0;
	_ =	sdelay $0x1  }
0x1ac: {  	v3 =	vperm.xlane v3, v2;
	v4 =	vadd.s32 v1, v4;
	_ =	sdelay $0x1  }
0x1ad: {  	v3 =	vadd.s32 v1, v3;
	_ =	sdelay $0x2  }
0x1ae: {  	[tilespmem:s8], [sflag:$0x1] =	stream.indirect_vreg.gather [hbm4b:s2+s3], $0x80, v4, vm0, $0xb8;
	[tilespmem:$0x10400] =	vst v63  }
0x1af: {  	s24 =	simm.s32 $0x3C00  }
0x1b0: {  	[tilespmem:s24], [sflag:$0x1] =	stream.indirect_vreg.gather [hbm4b:s2+s3], $0x80, v3, vm0, $0xb8;
	[tilespmem:$0x10400] =	vst v63  }
0x1b1: {  	v3 =	vld [tilespmem:$0x240];
	_ =	sdelay $0x4  }
0x1b2: {  	v36 =	vshll.u32 v3, $0x1  }
0x1b3: {  	v3 =	vand.u32 $0x7, v3;
	v4 =	vand.u32 $0xFFFFFFF0, v36  }
0x1b4: {  	v3 =	vor.u32 v3, v4  }
0x1b5: {  	v4 =	vperm.xlane v3, v0;
	_ =	sdelay $0x1  }
0x1b6: {  	v3 =	vperm.xlane v3, v2;
	v4 =	vadd.s32 v1, v4;
	_ =	sdelay $0x1  }
0x1b7: {  	v3 =	vadd.s32 v1, v3;
	_ =	sdelay $0x2  }
0x1b8: {  	[tilespmem:s9], [sflag:$0x1] =	stream.indirect_vreg.gather [hbm4b:s2+s3], $0x80, v4, vm0, $0xb8;
	[tilespmem:$0x10400] =	vst v63  }
0x1b9: {  	_ = 	snop  }
0x1ba: {  	[tilespmem:s11], [sflag:$0x1] =	stream.indirect_vreg.gather [hbm4b:s2+s3], $0x80, v3, vm0, $0xb8;
	[tilespmem:$0x10400] =	vst v63  }
0x1bb: {  	v3 =	vld [tilespmem:$0x250];
	_ =	sdelay $0x4  }
0x1bc: {  	v37 =	vshll.u32 v3, $0x1  }
0x1bd: {  	v3 =	vand.u32 $0x7, v3;
	v4 =	vand.u32 $0xFFFFFFF0, v37  }
0x1be: {  	v3 =	vor.u32 v3, v4  }
0x1bf: {  	v4 =	vperm.xlane v3, v0;
	_ =	sdelay $0x1  }
0x1c0: {  	v3 =	vperm.xlane v3, v2;
	v4 =	vadd.s32 v1, v4;
	_ =	sdelay $0x1  }
0x1c1: {  	v3 =	vadd.s32 v1, v3;
	_ =	sdelay $0x2  }
0x1c2: {  	[tilespmem:s10], [sflag:$0x1] =	stream.indirect_vreg.gather [hbm4b:s2+s3], $0x80, v4, vm0, $0xb8;
	[tilespmem:$0x10400] =	vst v63  }
0x1c3: {  	s26 =	simm.s32 $0x5C00  }
0x1c4: {  	[tilespmem:s26], [sflag:$0x1] =	stream.indirect_vreg.gather [hbm4b:s2+s3], $0x80, v3, vm0, $0xb8;
	[tilespmem:$0x10400] =	vst v63  }
0x1c5: {  	v3 =	vld [tilespmem:$0x260];
	_ =	sdelay $0x4  }
0x1c6: {  	v38 =	vshll.u32 v3, $0x1  }
0x1c7: {  	v3 =	vand.u32 $0x7, v3;
	v4 =	vand.u32 $0xFFFFFFF0, v38  }
0x1c8: {  	v3 =	vor.u32 v3, v4  }
0x1c9: {  	v4 =	vperm.xlane v3, v0;
	_ =	sdelay $0x1  }
0x1ca: {  	v3 =	vperm.xlane v3, v2;
	v4 =	vadd.s32 v1, v4;
	_ =	sdelay $0x1  }
0x1cb: {  	v3 =	vadd.s32 v1, v3;
	_ =	sdelay $0x2  }
0x1cc: {  	[tilespmem:s15], [sflag:$0x1] =	stream.indirect_vreg.gather [hbm4b:s2+s3], $0x80, v4, vm0, $0xb8;
	[tilespmem:$0x10400] =	vst v63  }
0x1cd: {  	_ = 	snop  }
0x1ce: {  	[tilespmem:s16], [sflag:$0x1] =	stream.indirect_vreg.gather [hbm4b:s2+s3], $0x80, v3, vm0, $0xb8;
	[tilespmem:$0x10400] =	vst v63  }
0x1cf: {  	v3 =	vld [tilespmem:$0x270];
	_ =	sdelay $0x4  }
0x1d0: {  	v39 =	vshll.u32 v3, $0x1  }
0x1d1: {  	v3 =	vand.u32 $0x7, v3;
	v4 =	vand.u32 $0xFFFFFFF0, v39  }
0x1d2: {  	v3 =	vor.u32 v3, v4  }
0x1d3: {  	v4 =	vperm.xlane v3, v0;
	_ =	sdelay $0x1  }
0x1d4: {  	v3 =	vperm.xlane v3, v2;
	v4 =	vadd.s32 v1, v4;
	_ =	sdelay $0x1  }
0x1d5: {  	v3 =	vadd.s32 v1, v3;
	_ =	sdelay $0x2  }
0x1d6: {  	[tilespmem:s17], [sflag:$0x1] =	stream.indirect_vreg.gather [hbm4b:s2+s3], $0x80, v4, vm0, $0xb8;
	[tilespmem:$0x10400] =	vst v63  }
0x1d7: {  	_ = 	snop  }
0x1d8: {  	[tilespmem:s18], [sflag:$0x1] =	stream.indirect_vreg.gather [hbm4b:s2+s3], $0x80, v3, vm0, $0xb8;
	[tilespmem:$0x10400] =	vst v63  }
0x1d9: {  	_ =	swait.ge [sflag:s13], $0x8000  }
0x1da: {  	[sflag:s13] =	ssyncset.done $0x0  }
0x1db: {  	s24 =	rddreg [dreg:$0x7];
	[sflag:s13] =	ssyncadd.s32 $0xFFFF8000  }
0x1dc: {  	[hbm4b:s24+s3] =	stream.linear.scatter [tilespmem:s22], [sflag:$0x3], $0x8000, $0x38;
	[tilespmem:$0x10400] =	vst v63  }
0x1dd: {  	_ =	swait.ge [sflag:s5], $0x8000  }
0x1de: {  	[sflag:s5] =	ssyncset.done $0x0  }
0x1df: {  	[sflag:s5] =	ssyncadd.s32 $0xFFFF8000  }
0x1e0: {  	v3 =	vld [tilespmem:$0x280];
	_ =	sdelay $0x4  }
0x1e1: {  	v40 =	vshll.u32 v3, $0x1  }
0x1e2: {  	v3 =	vand.u32 $0x7, v3;
	v4 =	vand.u32 $0xFFFFFFF0, v40  }
0x1e3: {  	v3 =	vor.u32 v3, v4  }
0x1e4: {  	v4 =	vperm.xlane v3, v0;
	_ =	sdelay $0x1  }
0x1e5: {  	v3 =	vperm.xlane v3, v2;
	v4 =	vadd.s32 v1, v4;
	_ =	sdelay $0x1  }
0x1e6: {  	v3 =	vadd.s32 v1, v3;
	_ =	sdelay $0x2  }
0x1e7: {  	[tilespmem:s22], [sflag:$0x2] =	stream.indirect_vreg.gather [hbm4b:s2+s3], $0x80, v4, vm0, $0xb8;
	[tilespmem:$0x10400] =	vst v63  }
0x1e8: {  	s26 =	simm.s32 $0x8C00  }
0x1e9: {  	[tilespmem:s26], [sflag:$0x2] =	stream.indirect_vreg.gather [hbm4b:s2+s3], $0x80, v3, vm0, $0xb8;
	[tilespmem:$0x10400] =	vst v63  }
0x1ea: {  	v3 =	vld [tilespmem:$0x290];
	_ =	sdelay $0x4  }
0x1eb: {  	v41 =	vshll.u32 v3, $0x1  }
0x1ec: {  	v3 =	vand.u32 $0x7, v3;
	v4 =	vand.u32 $0xFFFFFFF0, v41  }
0x1ed: {  	v3 =	vor.u32 v3, v4  }
0x1ee: {  	v4 =	vperm.xlane v3, v0;
	_ =	sdelay $0x1  }
0x1ef: {  	v3 =	vperm.xlane v3, v2;
	v4 =	vadd.s32 v1, v4;
	_ =	sdelay $0x1  }
0x1f0: {  	v3 =	vadd.s32 v1, v3;
	_ =	sdelay $0x2  }
0x1f1: {  	[tilespmem:s0], [sflag:$0x2] =	stream.indirect_vreg.gather [hbm4b:s2+s3], $0x80, v4, vm0, $0xb8;
	[tilespmem:$0x10400] =	vst v63  }
0x1f2: {  	_ = 	snop  }
0x1f3: {  	[tilespmem:s6], [sflag:$0x2] =	stream.indirect_vreg.gather [hbm4b:s2+s3], $0x80, v3, vm0, $0xb8;
	[tilespmem:$0x10400] =	vst v63  }
0x1f4: {  	v3 =	vld [tilespmem:$0x2A0];
	_ =	sdelay $0x4  }
0x1f5: {  	v42 =	vshll.u32 v3, $0x1  }
0x1f6: {  	v3 =	vand.u32 $0x7, v3;
	v4 =	vand.u32 $0xFFFFFFF0, v42  }
0x1f7: {  	v3 =	vor.u32 v3, v4  }
0x1f8: {  	v4 =	vperm.xlane v3, v0;
	_ =	sdelay $0x1  }
0x1f9: {  	v3 =	vperm.xlane v3, v2;
	v4 =	vadd.s32 v1, v4;
	_ =	sdelay $0x1  }
0x1fa: {  	v3 =	vadd.s32 v1, v3;
	_ =	sdelay $0x2  }
0x1fb: {  	[tilespmem:s1], [sflag:$0x2] =	stream.indirect_vreg.gather [hbm4b:s2+s3], $0x80, v4, vm0, $0xb8;
	[tilespmem:$0x10400] =	vst v63  }
0x1fc: {  	_ = 	snop  }
0x1fd: {  	[tilespmem:s7], [sflag:$0x2] =	stream.indirect_vreg.gather [hbm4b:s2+s3], $0x80, v3, vm0, $0xb8;
	[tilespmem:$0x10400] =	vst v63  }
0x1fe: {  	v3 =	vld [tilespmem:$0x2B0];
	_ =	sdelay $0x4  }
0x1ff: {  	v43 =	vshll.u32 v3, $0x1  }
0x200: {  	v3 =	vand.u32 $0x7, v3;
	v4 =	vand.u32 $0xFFFFFFF0, v43  }
0x201: {  	v3 =	vor.u32 v3, v4  }
0x202: {  	v4 =	vperm.xlane v3, v0;
	_ =	sdelay $0x1  }
0x203: {  	v3 =	vperm.xlane v3, v2;
	v4 =	vadd.s32 v1, v4;
	_ =	sdelay $0x1  }
0x204: {  	v3 =	vadd.s32 v1, v3;
	_ =	sdelay $0x1  }
0x205: {  	s28 =	simm.s32 $0xB400  }
0x206: {  	[tilespmem:s28], [sflag:$0x2] =	stream.indirect_vreg.gather [hbm4b:s2+s3], $0x80, v4, vm0, $0xb8;
	[tilespmem:$0x10400] =	vst v63  }
0x207: {  	s28 =	simm.s32 $0xBC00  }
0x208: {  	[tilespmem:s28], [sflag:$0x2] =	stream.indirect_vreg.gather [hbm4b:s2+s3], $0x80, v3, vm0, $0xb8;
	[tilespmem:$0x10400] =	vst v63  }
0x209: {  	v3 =	vld [tilespmem:$0x2C0];
	_ =	sdelay $0x4  }
0x20a: {  	v44 =	vshll.u32 v3, $0x1  }
0x20b: {  	v3 =	vand.u32 $0x7, v3;
	v4 =	vand.u32 $0xFFFFFFF0, v44  }
0x20c: {  	v3 =	vor.u32 v3, v4  }
0x20d: {  	v4 =	vperm.xlane v3, v0;
	_ =	sdelay $0x1  }
0x20e: {  	v3 =	vperm.xlane v3, v2;
	v4 =	vadd.s32 v1, v4;
	_ =	sdelay $0x1  }
0x20f: {  	v3 =	vadd.s32 v1, v3;
	_ =	sdelay $0x1  }
0x210: {  	s21 =	simm.s32 $0xC400  }
0x211: {  	[tilespmem:s21], [sflag:$0x2] =	stream.indirect_vreg.gather [hbm4b:s2+s3], $0x80, v4, vm0, $0xb8;
	[tilespmem:$0x10400] =	vst v63  }
0x212: {  	s20 =	simm.s32 $0xCC00  }
0x213: {  	[tilespmem:s20], [sflag:$0x2] =	stream.indirect_vreg.gather [hbm4b:s2+s3], $0x80, v3, vm0, $0xb8;
	[tilespmem:$0x10400] =	vst v63  }
0x214: {  	v3 =	vld [tilespmem:$0x2D0];
	_ =	sdelay $0x4  }
0x215: {  	v45 =	vshll.u32 v3, $0x1  }
0x216: {  	v3 =	vand.u32 $0x7, v3;
	v4 =	vand.u32 $0xFFFFFFF0, v45  }
0x217: {  	v3 =	vor.u32 v3, v4  }
0x218: {  	v4 =	vperm.xlane v3, v0;
	_ =	sdelay $0x1  }
0x219: {  	v3 =	vperm.xlane v3, v2;
	v4 =	vadd.s32 v1, v4;
	_ =	sdelay $0x1  }
0x21a: {  	v3 =	vadd.s32 v1, v3;
	_ =	sdelay $0x1  }
0x21b: {  	s24 =	simm.s32 $0xD400  }
0x21c: {  	[tilespmem:s24], [sflag:$0x2] =	stream.indirect_vreg.gather [hbm4b:s2+s3], $0x80, v4, vm0, $0xb8;
	[tilespmem:$0x10400] =	vst v63  }
0x21d: {  	s29 =	simm.s32 $0xDC00  }
0x21e: {  	[tilespmem:s29], [sflag:$0x2] =	stream.indirect_vreg.gather [hbm4b:s2+s3], $0x80, v3, vm0, $0xb8;
	[tilespmem:$0x10400] =	vst v63  }
0x21f: {  	v3 =	vld [tilespmem:$0x2E0];
	_ =	sdelay $0x4  }
0x220: {  	v46 =	vshll.u32 v3, $0x1  }
0x221: {  	v3 =	vand.u32 $0x7, v3;
	v4 =	vand.u32 $0xFFFFFFF0, v46  }
0x222: {  	v3 =	vor.u32 v3, v4  }
0x223: {  	v4 =	vperm.xlane v3, v0;
	_ =	sdelay $0x1  }
0x224: {  	v3 =	vperm.xlane v3, v2;
	v4 =	vadd.s32 v1, v4;
	_ =	sdelay $0x1  }
0x225: {  	v3 =	vadd.s32 v1, v3;
	_ =	sdelay $0x1  }
0x226: {  	s23 =	simm.s32 $0xE400  }
0x227: {  	[tilespmem:s23], [sflag:$0x2] =	stream.indirect_vreg.gather [hbm4b:s2+s3], $0x80, v4, vm0, $0xb8;
	[tilespmem:$0x10400] =	vst v63  }
0x228: {  	s30 =	simm.s32 $0xEC00  }
0x229: {  	[tilespmem:s30], [sflag:$0x2] =	stream.indirect_vreg.gather [hbm4b:s2+s3], $0x80, v3, vm0, $0xb8;
	[tilespmem:$0x10400] =	vst v63  }
0x22a: {  	v3 =	vld [tilespmem:$0x2F0];
	_ =	sdelay $0x4  }
0x22b: {  	v47 =	vshll.u32 v3, $0x1  }
0x22c: {  	v3 =	vand.u32 $0x7, v3;
	v4 =	vand.u32 $0xFFFFFFF0, v47  }
0x22d: {  	v3 =	vor.u32 v3, v4  }
0x22e: {  	v4 =	vperm.xlane v3, v0;
	_ =	sdelay $0x1  }
0x22f: {  	v3 =	vperm.xlane v3, v2;
	v4 =	vadd.s32 v1, v4;
	_ =	sdelay $0x1  }
0x230: {  	v3 =	vadd.s32 v1, v3;
	_ =	sdelay $0x1  }
0x231: {  	s31 =	simm.s32 $0xF400  }
0x232: {  	[tilespmem:s31], [sflag:$0x2] =	stream.indirect_vreg.gather [hbm4b:s2+s3], $0x80, v4, vm0, $0xb8;
	[tilespmem:$0x10400] =	vst v63  }
0x233: {  	s30 =	simm.s32 $0xFC00  }
0x234: {  	[tilespmem:s30], [sflag:$0x2] =	stream.indirect_vreg.gather [hbm4b:s2+s3], $0x80, v3, vm0, $0xb8;
	[tilespmem:$0x10400] =	vst v63  }
0x235: {  	_ =	swait.ge [sflag:s12], $0x8000  }
0x236: {  	[sflag:s12] =	ssyncset.done $0x0  }
0x237: {  	s31 =	rddreg [dreg:$0x8];
	[sflag:s12] =	ssyncadd.s32 $0xFFFF8000  }
0x238: {  	[hbm4b:s31+s3] =	stream.linear.scatter [tilespmem:s25], [sflag:$0x3], $0x8000, $0x38;
	[tilespmem:$0x10400] =	vst v63  }
0x239: {  	_ =	swait.ge [sflag:s5], $0x8000  }
0x23a: {  	[sflag:s5] =	ssyncset.done $0x0  }
0x23b: {  	[sflag:s5] =	ssyncadd.s32 $0xFFFF8000  }
0x23c: {  	v3 =	vld [tilespmem:$0x300];
	_ =	sdelay $0x4  }
0x23d: {  	v48 =	vshll.u32 v3, $0x1  }
0x23e: {  	v3 =	vand.u32 $0x7, v3;
	v4 =	vand.u32 $0xFFFFFFF0, v48  }
0x23f: {  	v3 =	vor.u32 v3, v4  }
0x240: {  	v4 =	vperm.xlane v3, v0;
	_ =	sdelay $0x1  }
0x241: {  	v3 =	vperm.xlane v3, v2;
	v4 =	vadd.s32 v1, v4;
	_ =	sdelay $0x1  }
0x242: {  	v3 =	vadd.s32 v1, v3;
	_ =	sdelay $0x2  }
0x243: {  	[tilespmem:s25], [sflag:$0x1] =	stream.indirect_vreg.gather [hbm4b:s2+s3], $0x80, v4, vm0, $0xb8;
	[tilespmem:$0x10400] =	vst v63  }
0x244: {  	s31 =	simm.s32 $0xC00  }
0x245: {  	[tilespmem:s31], [sflag:$0x1] =	stream.indirect_vreg.gather [hbm4b:s2+s3], $0x80, v3, vm0, $0xb8;
	[tilespmem:$0x10400] =	vst v63  }
0x246: {  	v3 =	vld [tilespmem:$0x310];
	_ =	sdelay $0x4  }
0x247: {  	v49 =	vshll.u32 v3, $0x1  }
0x248: {  	v3 =	vand.u32 $0x7, v3;
	v4 =	vand.u32 $0xFFFFFFF0, v49  }
0x249: {  	v3 =	vor.u32 v3, v4  }
0x24a: {  	v4 =	vperm.xlane v3, v0;
	_ =	sdelay $0x1  }
0x24b: {  	v3 =	vperm.xlane v3, v2;
	v4 =	vadd.s32 v1, v4;
	_ =	sdelay $0x1  }
0x24c: {  	v3 =	vadd.s32 v1, v3;
	_ =	sdelay $0x1  }
0x24d: {  	s31 =	simm.s32 $0x1400  }
0x24e: {  	[tilespmem:s31], [sflag:$0x1] =	stream.indirect_vreg.gather [hbm4b:s2+s3], $0x80, v4, vm0, $0xb8;
	[tilespmem:$0x10400] =	vst v63  }
0x24f: {  	s31 =	simm.s32 $0x1C00  }
0x250: {  	[tilespmem:s31], [sflag:$0x1] =	stream.indirect_vreg.gather [hbm4b:s2+s3], $0x80, v3, vm0, $0xb8;
	[tilespmem:$0x10400] =	vst v63  }
0x251: {  	v3 =	vld [tilespmem:$0x320];
	_ =	sdelay $0x4  }
0x252: {  	v50 =	vshll.u32 v3, $0x1  }
0x253: {  	v3 =	vand.u32 $0x7, v3;
	v4 =	vand.u32 $0xFFFFFFF0, v50  }
0x254: {  	v3 =	vor.u32 v3, v4  }
0x255: {  	v4 =	vperm.xlane v3, v0;
	_ =	sdelay $0x1  }
0x256: {  	v3 =	vperm.xlane v3, v2;
	v4 =	vadd.s32 v1, v4;
	_ =	sdelay $0x1  }
0x257: {  	v3 =	vadd.s32 v1, v3;
	_ =	sdelay $0x1  }
0x258: {  	s31 =	simm.s32 $0x2400  }
0x259: {  	[tilespmem:s31], [sflag:$0x1] =	stream.indirect_vreg.gather [hbm4b:s2+s3], $0x80, v4, vm0, $0xb8;
	[tilespmem:$0x10400] =	vst v63  }
0x25a: {  	s19 =	simm.s32 $0x2C00  }
0x25b: {  	[tilespmem:s19], [sflag:$0x1] =	stream.indirect_vreg.gather [hbm4b:s2+s3], $0x80, v3, vm0, $0xb8;
	[tilespmem:$0x10400] =	vst v63  }
0x25c: {  	v3 =	vld [tilespmem:$0x330];
	_ =	sdelay $0x4  }
0x25d: {  	v51 =	vshll.u32 v3, $0x1  }
0x25e: {  	v3 =	vand.u32 $0x7, v3;
	v4 =	vand.u32 $0xFFFFFFF0, v51  }
0x25f: {  	v3 =	vor.u32 v3, v4  }
0x260: {  	v4 =	vperm.xlane v3, v0;
	_ =	sdelay $0x1  }
0x261: {  	v3 =	vperm.xlane v3, v2;
	v4 =	vadd.s32 v1, v4;
	_ =	sdelay $0x1  }
0x262: {  	v3 =	vadd.s32 v1, v3;
	_ =	sdelay $0x1  }
0x263: {  	s8 =	simm.s32 $0x3400  }
0x264: {  	[tilespmem:s8], [sflag:$0x1] =	stream.indirect_vreg.gather [hbm4b:s2+s3], $0x80, v4, vm0, $0xb8;
	[tilespmem:$0x10400] =	vst v63  }
0x265: {  	s31 =	simm.s32 $0x3C00  }
0x266: {  	[tilespmem:s31], [sflag:$0x1] =	stream.indirect_vreg.gather [hbm4b:s2+s3], $0x80, v3, vm0, $0xb8;
	[tilespmem:$0x10400] =	vst v63  }
0x267: {  	v3 =	vld [tilespmem:$0x340];
	_ =	sdelay $0x4  }
0x268: {  	v52 =	vshll.u32 v3, $0x1  }
0x269: {  	v3 =	vand.u32 $0x7, v3;
	v4 =	vand.u32 $0xFFFFFFF0, v52  }
0x26a: {  	v3 =	vor.u32 v3, v4  }
0x26b: {  	v4 =	vperm.xlane v3, v0;
	_ =	sdelay $0x1  }
0x26c: {  	v3 =	vperm.xlane v3, v2;
	v4 =	vadd.s32 v1, v4;
	_ =	sdelay $0x1  }
0x26d: {  	v3 =	vadd.s32 v1, v3;
	_ =	sdelay $0x1  }
0x26e: {  	s9 =	simm.s32 $0x4400  }
0x26f: {  	[tilespmem:s9], [sflag:$0x1] =	stream.indirect_vreg.gather [hbm4b:s2+s3], $0x80, v4, vm0, $0xb8;
	[tilespmem:$0x10400] =	vst v63  }
0x270: {  	s11 =	simm.s32 $0x4C00  }
0x271: {  	[tilespmem:s11], [sflag:$0x1] =	stream.indirect_vreg.gather [hbm4b:s2+s3], $0x80, v3, vm0, $0xb8;
	[tilespmem:$0x10400] =	vst v63  }
0x272: {  	v3 =	vld [tilespmem:$0x350];
	_ =	sdelay $0x4  }
0x273: {  	v53 =	vshll.u32 v3, $0x1  }
0x274: {  	v3 =	vand.u32 $0x7, v3;
	v4 =	vand.u32 $0xFFFFFFF0, v53  }
0x275: {  	v3 =	vor.u32 v3, v4  }
0x276: {  	v4 =	vperm.xlane v3, v0;
	_ =	sdelay $0x1  }
0x277: {  	v3 =	vperm.xlane v3, v2;
	v4 =	vadd.s32 v1, v4;
	_ =	sdelay $0x1  }
0x278: {  	v3 =	vadd.s32 v1, v3;
	_ =	sdelay $0x1  }
0x279: {  	s10 =	simm.s32 $0x5400  }
0x27a: {  	[tilespmem:s10], [sflag:$0x1] =	stream.indirect_vreg.gather [hbm4b:s2+s3], $0x80, v4, vm0, $0xb8;
	[tilespmem:$0x10400] =	vst v63  }
0x27b: {  	s14 =	simm.s32 $0x5C00  }
0x27c: {  	[tilespmem:s14], [sflag:$0x1] =	stream.indirect_vreg.gather [hbm4b:s2+s3], $0x80, v3, vm0, $0xb8;
	[tilespmem:$0x10400] =	vst v63  }
0x27d: {  	v3 =	vld [tilespmem:$0x360];
	_ =	sdelay $0x4  }
0x27e: {  	v54 =	vshll.u32 v3, $0x1  }
0x27f: {  	v3 =	vand.u32 $0x7, v3;
	v4 =	vand.u32 $0xFFFFFFF0, v54  }
0x280: {  	v3 =	vor.u32 v3, v4  }
0x281: {  	v4 =	vperm.xlane v3, v0;
	_ =	sdelay $0x1  }
0x282: {  	v3 =	vperm.xlane v3, v2;
	v4 =	vadd.s32 v1, v4;
	_ =	sdelay $0x1  }
0x283: {  	v3 =	vadd.s32 v1, v3;
	_ =	sdelay $0x1  }
0x284: {  	s15 =	simm.s32 $0x6400  }
0x285: {  	[tilespmem:s15], [sflag:$0x1] =	stream.indirect_vreg.gather [hbm4b:s2+s3], $0x80, v4, vm0, $0xb8;
	[tilespmem:$0x10400] =	vst v63  }
0x286: {  	s16 =	simm.s32 $0x6C00  }
0x287: {  	[tilespmem:s16], [sflag:$0x1] =	stream.indirect_vreg.gather [hbm4b:s2+s3], $0x80, v3, vm0, $0xb8;
	[tilespmem:$0x10400] =	vst v63  }
0x288: {  	v3 =	vld [tilespmem:$0x370];
	_ =	sdelay $0x4  }
0x289: {  	v55 =	vshll.u32 v3, $0x1  }
0x28a: {  	v3 =	vand.u32 $0x7, v3;
	v4 =	vand.u32 $0xFFFFFFF0, v55  }
0x28b: {  	v3 =	vor.u32 v3, v4  }
0x28c: {  	v4 =	vperm.xlane v3, v0;
	_ =	sdelay $0x1  }
0x28d: {  	v3 =	vperm.xlane v3, v2;
	v4 =	vadd.s32 v1, v4;
	_ =	sdelay $0x1  }
0x28e: {  	v3 =	vadd.s32 v1, v3;
	_ =	sdelay $0x1  }
0x28f: {  	s17 =	simm.s32 $0x7400  }
0x290: {  	[tilespmem:s17], [sflag:$0x1] =	stream.indirect_vreg.gather [hbm4b:s2+s3], $0x80, v4, vm0, $0xb8;
	[tilespmem:$0x10400] =	vst v63  }
0x291: {  	s18 =	simm.s32 $0x7C00  }
0x292: {  	[tilespmem:s18], [sflag:$0x1] =	stream.indirect_vreg.gather [hbm4b:s2+s3], $0x80, v3, vm0, $0xb8;
	[tilespmem:$0x10400] =	vst v63  }
0x293: {  	_ =	swait.ge [sflag:s13], $0x8000  }
0x294: {  	[sflag:s13] =	ssyncset.done $0x0  }
0x295: {  	s18 =	rddreg [dreg:$0x9];
	[sflag:s13] =	ssyncadd.s32 $0xFFFF8000  }
0x296: {  	[hbm4b:s18+s3] =	stream.linear.scatter [tilespmem:s22], [sflag:$0x3], $0x8000, $0x38;
	[tilespmem:$0x10400] =	vst v63  }
0x297: {  	_ =	swait.ge [sflag:s5], $0x8000  }
0x298: {  	[sflag:s5] =	ssyncset.done $0x0  }
0x299: {  	[sflag:s5] =	ssyncadd.s32 $0xFFFF8000  }
0x29a: {  	v3 =	vld [tilespmem:$0x380];
	_ =	sdelay $0x4  }
0x29b: {  	v56 =	vshll.u32 v3, $0x1  }
0x29c: {  	v3 =	vand.u32 $0x7, v3;
	v4 =	vand.u32 $0xFFFFFFF0, v56  }
0x29d: {  	v3 =	vor.u32 v3, v4  }
0x29e: {  	v4 =	vperm.xlane v3, v0;
	_ =	sdelay $0x1  }
0x29f: {  	v3 =	vperm.xlane v3, v2;
	v4 =	vadd.s32 v1, v4;
	_ =	sdelay $0x1  }
0x2a0: {  	v3 =	vadd.s32 v1, v3;
	_ =	sdelay $0x2  }
0x2a1: {  	[tilespmem:s22], [sflag:$0x2] =	stream.indirect_vreg.gather [hbm4b:s2+s3], $0x80, v4, vm0, $0xb8;
	[tilespmem:$0x10400] =	vst v63  }
0x2a2: {  	s19 =	simm.s32 $0x8C00  }
0x2a3: {  	[tilespmem:s19], [sflag:$0x2] =	stream.indirect_vreg.gather [hbm4b:s2+s3], $0x80, v3, vm0, $0xb8;
	[tilespmem:$0x10400] =	vst v63  }
0x2a4: {  	v3 =	vld [tilespmem:$0x390];
	_ =	sdelay $0x4  }
0x2a5: {  	v57 =	vshll.u32 v3, $0x1  }
0x2a6: {  	v3 =	vand.u32 $0x7, v3;
	v4 =	vand.u32 $0xFFFFFFF0, v57  }
0x2a7: {  	v3 =	vor.u32 v3, v4  }
0x2a8: {  	v4 =	vperm.xlane v3, v0;
	_ =	sdelay $0x1  }
0x2a9: {  	v3 =	vperm.xlane v3, v2;
	v4 =	vadd.s32 v1, v4;
	_ =	sdelay $0x1  }
0x2aa: {  	v3 =	vadd.s32 v1, v3;
	_ =	sdelay $0x1  }
0x2ab: {  	s0 =	simm.s32 $0x9400  }
0x2ac: {  	[tilespmem:s0], [sflag:$0x2] =	stream.indirect_vreg.gather [hbm4b:s2+s3], $0x80, v4, vm0, $0xb8;
	[tilespmem:$0x10400] =	vst v63  }
0x2ad: {  	s6 =	simm.s32 $0x9C00  }
0x2ae: {  	[tilespmem:s6], [sflag:$0x2] =	stream.indirect_vreg.gather [hbm4b:s2+s3], $0x80, v3, vm0, $0xb8;
	[tilespmem:$0x10400] =	vst v63  }
0x2af: {  	v3 =	vld [tilespmem:$0x3A0];
	_ =	sdelay $0x4  }
0x2b0: {  	v58 =	vshll.u32 v3, $0x1  }
0x2b1: {  	v3 =	vand.u32 $0x7, v3;
	v4 =	vand.u32 $0xFFFFFFF0, v58  }
0x2b2: {  	v3 =	vor.u32 v3, v4  }
0x2b3: {  	v4 =	vperm.xlane v3, v0;
	_ =	sdelay $0x1  }
0x2b4: {  	v3 =	vperm.xlane v3, v2;
	v4 =	vadd.s32 v1, v4;
	_ =	sdelay $0x1  }
0x2b5: {  	v3 =	vadd.s32 v1, v3;
	_ =	sdelay $0x1  }
0x2b6: {  	s1 =	simm.s32 $0xA400  }
0x2b7: {  	[tilespmem:s1], [sflag:$0x2] =	stream.indirect_vreg.gather [hbm4b:s2+s3], $0x80, v4, vm0, $0xb8;
	[tilespmem:$0x10400] =	vst v63  }
0x2b8: {  	s7 =	simm.s32 $0xAC00  }
0x2b9: {  	[tilespmem:s7], [sflag:$0x2] =	stream.indirect_vreg.gather [hbm4b:s2+s3], $0x80, v3, vm0, $0xb8;
	[tilespmem:$0x10400] =	vst v63  }
0x2ba: {  	v3 =	vld [tilespmem:$0x3B0];
	_ =	sdelay $0x4  }
0x2bb: {  	v59 =	vshll.u32 v3, $0x1  }
0x2bc: {  	v3 =	vand.u32 $0x7, v3;
	v4 =	vand.u32 $0xFFFFFFF0, v59  }
0x2bd: {  	v3 =	vor.u32 v3, v4  }
0x2be: {  	v4 =	vperm.xlane v3, v0;
	_ =	sdelay $0x1  }
0x2bf: {  	v3 =	vperm.xlane v3, v2;
	v4 =	vadd.s32 v1, v4;
	_ =	sdelay $0x1  }
0x2c0: {  	v3 =	vadd.s32 v1, v3;
	_ =	sdelay $0x1  }
0x2c1: {  	s26 =	simm.s32 $0xB400  }
0x2c2: {  	[tilespmem:s26], [sflag:$0x2] =	stream.indirect_vreg.gather [hbm4b:s2+s3], $0x80, v4, vm0, $0xb8;
	[tilespmem:$0x10400] =	vst v63  }
0x2c3: {  	s26 =	simm.s32 $0xBC00  }
0x2c4: {  	[tilespmem:s26], [sflag:$0x2] =	stream.indirect_vreg.gather [hbm4b:s2+s3], $0x80, v3, vm0, $0xb8;
	[tilespmem:$0x10400] =	vst v63  }
0x2c5: {  	v3 =	vld [tilespmem:$0x3C0];
	_ =	sdelay $0x4  }
0x2c6: {  	v60 =	vshll.u32 v3, $0x1  }
0x2c7: {  	v3 =	vand.u32 $0x7, v3;
	v4 =	vand.u32 $0xFFFFFFF0, v60  }
0x2c8: {  	v3 =	vor.u32 v3, v4  }
0x2c9: {  	v4 =	vperm.xlane v3, v0;
	_ =	sdelay $0x1  }
0x2ca: {  	v3 =	vperm.xlane v3, v2;
	v4 =	vadd.s32 v1, v4;
	_ =	sdelay $0x1  }
0x2cb: {  	v3 =	vadd.s32 v1, v3;
	_ =	sdelay $0x1  }
0x2cc: {  	s28 =	simm.s32 $0xC400  }
0x2cd: {  	[tilespmem:s28], [sflag:$0x2] =	stream.indirect_vreg.gather [hbm4b:s2+s3], $0x80, v4, vm0, $0xb8;
	[tilespmem:$0x10400] =	vst v63  }
0x2ce: {  	s21 =	simm.s32 $0xCC00  }
0x2cf: {  	[tilespmem:s21], [sflag:$0x2] =	stream.indirect_vreg.gather [hbm4b:s2+s3], $0x80, v3, vm0, $0xb8;
	[tilespmem:$0x10400] =	vst v63  }
0x2d0: {  	v3 =	vld [tilespmem:$0x3D0];
	_ =	sdelay $0x4  }
0x2d1: {  	v61 =	vshll.u32 v3, $0x1  }
0x2d2: {  	v3 =	vand.u32 $0x7, v3;
	v4 =	vand.u32 $0xFFFFFFF0, v61  }
0x2d3: {  	v3 =	vor.u32 v3, v4  }
0x2d4: {  	v4 =	vperm.xlane v3, v0;
	_ =	sdelay $0x1  }
0x2d5: {  	v3 =	vperm.xlane v3, v2;
	v4 =	vadd.s32 v1, v4;
	_ =	sdelay $0x1  }
0x2d6: {  	v3 =	vadd.s32 v1, v3;
	_ =	sdelay $0x1  }
0x2d7: {  	s28 =	simm.s32 $0xD400  }
0x2d8: {  	[tilespmem:s28], [sflag:$0x2] =	stream.indirect_vreg.gather [hbm4b:s2+s3], $0x80, v4, vm0, $0xb8;
	[tilespmem:$0x10400] =	vst v63  }
0x2d9: {  	s24 =	simm.s32 $0xDC00  }
0x2da: {  	[tilespmem:s24], [sflag:$0x2] =	stream.indirect_vreg.gather [hbm4b:s2+s3], $0x80, v3, vm0, $0xb8;
	[tilespmem:$0x10400] =	vst v63  }
0x2db: {  	v3 =	vld [tilespmem:$0x3E0];
	_ =	sdelay $0x4  }
0x2dc: {  	v62 =	vshll.u32 v3, $0x1  }
0x2dd: {  	v3 =	vand.u32 $0x7, v3;
	v4 =	vand.u32 $0xFFFFFFF0, v62  }
0x2de: {  	v3 =	vor.u32 v3, v4  }
0x2df: {  	v4 =	vperm.xlane v3, v0;
	_ =	sdelay $0x1  }
0x2e0: {  	v3 =	vperm.xlane v3, v2;
	v4 =	vadd.s32 v1, v4;
	_ =	sdelay $0x1  }
0x2e1: {  	v3 =	vadd.s32 v1, v3;
	_ =	sdelay $0x1  }
0x2e2: {  	s20 =	simm.s32 $0xE400  }
0x2e3: {  	[tilespmem:s20], [sflag:$0x2] =	stream.indirect_vreg.gather [hbm4b:s2+s3], $0x80, v4, vm0, $0xb8;
	[tilespmem:$0x10400] =	vst v63  }
0x2e4: {  	s23 =	simm.s32 $0xEC00  }
0x2e5: {  	[tilespmem:s23], [sflag:$0x2] =	stream.indirect_vreg.gather [hbm4b:s2+s3], $0x80, v3, vm0, $0xb8;
	[tilespmem:$0x10400] =	vst v63  }
0x2e6: {  	v3 =	vld [tilespmem:$0x3F0];
	_ =	sdelay $0x4  }
0x2e7: {  	v63 =	vshll.u32 v3, $0x1  }
0x2e8: {  	v3 =	vand.u32 $0x7, v3;
	v4 =	vand.u32 $0xFFFFFFF0, v63  }
0x2e9: {  	v3 =	vor.u32 v3, v4  }
0x2ea: {  	v4 =	vperm.xlane v3, v0;
	_ =	sdelay $0x1  }
0x2eb: {  	v3 =	vperm.xlane v3, v2;
	v4 =	vadd.s32 v1, v4;
	_ =	sdelay $0x1  }
0x2ec: {  	v3 =	vadd.s32 v1, v3;
	_ =	sdelay $0x1  }
0x2ed: {  	s29 =	simm.s32 $0xF400  }
0x2ee: {  	[tilespmem:s29], [sflag:$0x2] =	stream.indirect_vreg.gather [hbm4b:s2+s3], $0x80, v4, vm0, $0xb8;
	[tilespmem:$0x10400] =	vst v63  }
0x2ef: {  	s30 =	simm.s32 $0xFC00  }
0x2f0: {  	[tilespmem:s30], [sflag:$0x2] =	stream.indirect_vreg.gather [hbm4b:s2+s3], $0x80, v3, vm0, $0xb8;
	[tilespmem:$0x10400] =	vst v63  }
0x2f1: {  	_ =	swait.ge [sflag:s12], $0x8000  }
0x2f2: {  	[sflag:s12] =	ssyncset.done $0x0  }
0x2f3: {  	s30 =	rddreg [dreg:$0xa];
	[sflag:s12] =	ssyncadd.s32 $0xFFFF8000  }
0x2f4: {  	[hbm4b:s30+s3] =	stream.linear.scatter [tilespmem:s25], [sflag:$0x3], $0x8000, $0x38;
	[tilespmem:$0x10400] =	vst v63  }
0x2f5: {  	_ =	swait.ge [sflag:s5], $0x8000  }
0x2f6: {  	[sflag:s5] =	ssyncset.done $0x0  }
0x2f7: {  	[sflag:s5] =	ssyncadd.s32 $0xFFFF8000  }
0x2f8: {  	_ =	swait.ge [sflag:s13], $0x8000  }
0x2f9: {  	p0 =	sne.s32 s4, $0x1;
	[sflag:s13] =	ssyncset.done $0x0  }
.Ltmp0:
0x2fa: {  	s31 =	rddreg [dreg:$0xb];
	[sflag:s13] =	ssyncadd.s32 $0xFFFF8000;
	(pc) =	sbr.rel @p0 .LBB2_1-.Ltmp0, $4  }
0x2fb: {  	[hbm4b:s31+s3] =	stream.linear.scatter [tilespmem:s22], [sflag:$0x3], $0x8000, $0x38;
	[tilespmem:$0x10400] =	vst v63  }
0x2fc: {  	_ =	swait.ge [sflag:s5], $0x8000  }
0x2fd: {  	[sflag:s5] =	ssyncset.done $0x0  }
0x2fe: {  	s4 =	sadd.s32 $0xFFFFFFFF, s4;
	[sflag:s5] =	ssyncadd.s32 $0xFFFF8000  }
0x2ff: {  	_ =	sfence.sel $0x180000  }
0x300: {  	[bflag:$0x0] =	sbarrier.arrive $0xFFFF  }
0x301: {  	_ =	strace $0x90000047  }
0x302: {  	s0 =	stileid.u32;
	[bflag:$0x2] =	sbarrier.arrive $0xFFFF  }
0x303: {  	p0 =	sne.s32 s0, $0x0;
	s0 =	rddreg [dreg:$0x2]  }
0x304: {  	s0 =	sadd.s32 @!p0 $0x100000, s0  }
0x305: {  	[sflag:s0] =	ssyncadd.tile.s32 @!p0 $0x1;
	_ =	shalt  }
.Lfunc_end2:
_tile_overlayer_lowered:
.L_overlay_start_2:
0x306: {  	(tag) =	ssettag $0x2  }
0x307: {  	s0 =	rddreg [dreg:$0x0];
	s2 =	stileid.u32  }
0x308: {  	s1 =	rddreg [dreg:$0x1];
	p0 =	sne.s32 s2, $0x0  }
0x309: {  	s3 =	rddreg [dreg:$0x2];
	[bflag:$0x3] =	sbarrier.arrive $0xFFFF;
	s2 =	simm.s32 @!p0 $0x1C03  }
0x30a: {  	[timem:s3], [sflag:s2] =	dma.local @!p0 [hbm:s0], s1  }
0x30b: {  	s0 =	simm.s32 @!p0 $0x3  }
0x30c: {  	_ =	swait.ge @!p0 [sflag:s0], s1  }
0x30d: {  	s1 =	ssub.s32 @!p0 $0x0, s1;
	[sflag:s0] =	ssyncset.done @!p0 $0x0  }
0x30e: {  	[sflag:s0] =	ssyncadd.s32 @!p0 s1  }
0x30f: {  	[bflag:$0x3] =	sbarrier.arrive $0xFFFF  }
0x310: {  	_ =	shalt  }

</sc_bundles>
